<compile_context>
chip_gen: v7x
topology: tpu7x:2x2x1
jax: 0.10.2.dev20260603
libtpu: 0.0.44.dev20260713+nightly
codegen_flags: <defaults>
</compile_context>

<pallas_src>
import functools

import jax
import jax.numpy as jnp
from jax import lax
from jax.experimental import pallas as pl
from jax.experimental.pallas import tpu as pltpu
from jax.experimental.pallas import tpu_sc as plsc

N = 10000
D = 128
NUM_LAYERS = 4
NC = 2
NS = 16
NW = NC * NS
NPAD = 10240
RPT = NPAD // NS
K = 128


def _make_segment_sum(n_chunks):
  mesh = plsc.VectorSubcoreMesh(
      core_axis_name="c", subcore_axis_name="s", num_cores=NC, num_subcores=NS)

  @functools.partial(
      pl.kernel,
      out_type=jax.ShapeDtypeStruct((NC, NPAD, D), jnp.float32),
      mesh=mesh,
      scratch_types=[
          pltpu.VMEM((K,), jnp.int32),
          pltpu.VMEM((K,), jnp.int32),
          pltpu.VMEM((K, D), jnp.float32),
          pltpu.VMEM_SHARED((NPAD, D), jnp.float32),
          pltpu.SemaphoreType.DMA,
      ],
  )
  def seg_sum(cur_hbm, src_hbm, dst_hbm, zeros_hbm, out_hbm,
              sidx, didx, rows, acc, gsem):
    c = lax.axis_index("c")
    s = lax.axis_index("s")
    tid = s * NC + c
    r0 = s * RPT
    ept = n_chunks * K
    pltpu.sync_copy(zeros_hbm.at[pl.ds(r0, RPT)], acc.at[pl.ds(r0, RPT)])
    plsc.subcore_barrier()

    def step(j, _):
      base = tid * ept + j * K
      pltpu.sync_copy(src_hbm.at[pl.ds(base, K)], sidx)
      pltpu.sync_copy(dst_hbm.at[pl.ds(base, K)], didx)
      pltpu.async_copy(cur_hbm.at[sidx], rows, gsem).wait()
      pltpu.sync_copy(rows, acc.at[didx], add=True)
      return 0

    lax.fori_loop(0, n_chunks, step, 0)
    plsc.subcore_barrier()
    pltpu.sync_copy(acc.at[pl.ds(r0, RPT)], out_hbm.at[c, pl.ds(r0, RPT)])

  return seg_sum


def _tc_layer_body(cur_ref, a0_ref, a1_ref, w1_ref, b1_ref, w2_ref, b2_ref,
                   g1_ref, be1_ref, g2_ref, be2_ref, g3_ref, be3_ref,
                   out_ref, pooled_ref):
  cur = cur_ref[:]
  pooled_ref[0, :] = jnp.sum(cur, axis=0)
  x = cur + a0_ref[:] + a1_ref[:]
  y = jnp.dot(x, w1_ref[:], preferred_element_type=jnp.float32) + b1_ref[0, :]
  mu = jnp.mean(y, axis=0)
  var = jnp.mean(y * y, axis=0) - mu * mu
  y = jnp.maximum((y - mu) * lax.rsqrt(var + 1e-5) * g1_ref[0, :]
                  + be1_ref[0, :], 0.0)
  z = jnp.dot(y, w2_ref[:], preferred_element_type=jnp.float32) + b2_ref[0, :]
  mu = jnp.mean(z, axis=0)
  var = jnp.mean(z * z, axis=0) - mu * mu
  z = jnp.maximum((z - mu) * lax.rsqrt(var + 1e-5) * g2_ref[0, :]
                  + be2_ref[0, :], 0.0)
  mu = jnp.mean(z, axis=0)
  var = jnp.mean(z * z, axis=0) - mu * mu
  out_ref[:] = jnp.maximum((z - mu) * lax.rsqrt(var + 1e-5) * g3_ref[0, :]
                           + be3_ref[0, :], 0.0)


_tc_layer = pl.pallas_call(
    _tc_layer_body,
    out_shape=(
        jax.ShapeDtypeStruct((N, D), jnp.float32),
        jax.ShapeDtypeStruct((1, D), jnp.float32),
    ),
)


def _pred_body(h_ref, pooled_ref, wp_ref, bp_ref, out_ref):
  p_last = jnp.sum(h_ref[:], axis=0).reshape(1, D)
  score = jnp.zeros((1, wp_ref.shape[2]), jnp.float32)
  for i in range(NUM_LAYERS):
    score = score + jnp.dot(pooled_ref[i].reshape(1, D), wp_ref[i],
                            preferred_element_type=jnp.float32) + bp_ref[i]
  score = score + jnp.dot(p_last, wp_ref[NUM_LAYERS],
                          preferred_element_type=jnp.float32) \
      + bp_ref[NUM_LAYERS]
  out_ref[:] = score


def kernel(h, edge_index, Wmlp1, bmlp1, Wmlp2, bmlp2, bn_mlp_g, bn_mlp_b,
           bn_apply_g, bn_apply_b, bn_out_g, bn_out_b, Wpred, bpred):
  E = edge_index.shape[1]
  ept = -(-E // (NW * K)) * K
  e_pad = ept * NW
  src = edge_index[0]
  dst = edge_index[1]
  if e_pad > E:
    n_pad = e_pad - E
    src = jnp.concatenate([src, jnp.zeros((n_pad,), jnp.int32)])
    dst = jnp.concatenate(
        [dst, N + (jnp.arange(n_pad, dtype=jnp.int32) % (NPAD - N))])
  n_chunks = ept // K
  zeros = jnp.zeros((NPAD, D), jnp.float32)
  seg_sum = _make_segment_sum(n_chunks)

  def row(v, i):
    return v[i].reshape(1, D)

  pooled = []
  cur = h
  for i in range(NUM_LAYERS):
    acc = seg_sum(cur, src, dst, zeros)
    cur, p = _tc_layer(cur, acc[0, :N], acc[1, :N], Wmlp1[i], row(bmlp1, i),
                       Wmlp2[i], row(bmlp2, i), row(bn_mlp_g, i),
                       row(bn_mlp_b, i), row(bn_apply_g, i),
                       row(bn_apply_b, i), row(bn_out_g, i), row(bn_out_b, i))
    pooled.append(p)
  pooled = jnp.concatenate(pooled, axis=0)

  pred = pl.pallas_call(
      _pred_body,
      out_shape=jax.ShapeDtypeStruct((1, Wpred.shape[2]), jnp.float32),
  )
  return pred(cur, pooled, Wpred, bpred)

# --- scband reference (transcript-rebuilt; emitter-appended) ---
"""Pipeline reference for scband-gin-13632226197859 (READ-ONLY COPY).

The authoritative reference and input builder live on the scoring server;
editing this copy changes nothing except your own understanding.
"""

import jax, jax.numpy as jnp
import numpy as np

N = 10000
E = 320000
D = 128
H = 128
O = 16
L = 5
NUM_GIN = L - 1


def _bn(x, g, b, eps=1e-5):
    mu = jnp.mean(x, axis=0)
    var = jnp.var(x, axis=0)
    return (x - mu) / jnp.sqrt(var + eps) * g + b


def setup_inputs(seed: int = 0) -> dict:
    key = jax.random.key(seed)
    ks = jax.random.split(key, 8)
    h = jax.random.normal(ks[0], (N, D), dtype=jnp.float32)
    edge_index = jax.random.randint(ks[1], (2, E), 0, N, dtype=jnp.int32)
    Wmlp1 = jax.random.normal(ks[2], (NUM_GIN, D, H), dtype=jnp.float32) * 0.05
    bmlp1 = jnp.zeros((NUM_GIN, H), dtype=jnp.float32)
    Wmlp2 = jax.random.normal(ks[3], (NUM_GIN, H, H), dtype=jnp.float32) * 0.05
    bmlp2 = jnp.zeros((NUM_GIN, H), dtype=jnp.float32)
    bn_mlp_g = jnp.ones((NUM_GIN, H), dtype=jnp.float32)
    bn_mlp_b = jnp.zeros((NUM_GIN, H), dtype=jnp.float32)
    bn_apply_g = jnp.ones((NUM_GIN, H), dtype=jnp.float32)
    bn_apply_b = jnp.zeros((NUM_GIN, H), dtype=jnp.float32)
    bn_out_g = jnp.ones((NUM_GIN, H), dtype=jnp.float32)
    bn_out_b = jnp.zeros((NUM_GIN, H), dtype=jnp.float32)
    Wpred = jax.random.normal(ks[4], (L, H, O), dtype=jnp.float32) * 0.05
    bpred = jnp.zeros((L, O), dtype=jnp.float32)
    return {"h": h, "edge_index": edge_index, "Wmlp1": Wmlp1, "bmlp1": bmlp1,
            "Wmlp2": Wmlp2, "bmlp2": bmlp2, "bn_mlp_g": bn_mlp_g, "bn_mlp_b": bn_mlp_b,
            "bn_apply_g": bn_apply_g, "bn_apply_b": bn_apply_b, "bn_out_g": bn_out_g,
            "bn_out_b": bn_out_b, "Wpred": Wpred, "bpred": bpred}


def reference(h, edge_index, Wmlp1, bmlp1, Wmlp2, bmlp2, bn_mlp_g, bn_mlp_b,
              bn_apply_g, bn_apply_b, bn_out_g, bn_out_b, Wpred, bpred):
    src = edge_index[0]
    dst = edge_index[1]
    hidden = [h]
    cur = h
    for i in range(NUM_GIN):
        # GINConv with sum neighbor pooling, eps=0 (learn_eps=False)
        agg = jax.ops.segment_sum(cur[src], dst, num_segments=N)
        x = cur + agg
        # ApplyNodeFunc: MLP (linear -> BN -> relu -> linear), then BN, relu
        x = x @ Wmlp1[i] + bmlp1[i]
        x = jax.nn.relu(_bn(x, bn_mlp_g[i], bn_mlp_b[i]))
        x = x @ Wmlp2[i] + bmlp2[i]
        x = jax.nn.relu(_bn(x, bn_apply_g[i], bn_apply_b[i]))
        # outer batch_norm + relu in GIN.forward
        x = jax.nn.relu(_bn(x, bn_out_g[i], bn_out_b[i]))
        cur = x
        hidden.append(cur)
    score = jnp.zeros((1, O), dtype=jnp.float32)
    for i, hh in enumerate(hidden):
        pooled = jnp.sum(hh, axis=0, keepdims=True)  # SumPooling, single graph
        score = score + pooled @ Wpred[i] + bpred[i]  # dropout skipped (eval)
    return score

if __name__ == "__main__":
    import jax
    _d = setup_inputs()
    print(jax.jit(kernel)(*tuple(_d.values())))

</pallas_src>

<mosaic_0001>
#map = affine_map<(d0, d1) -> (0, 0)>
#map1 = affine_map<(d0, d1) -> (0)>
#map2 = affine_map<(d0, d1) -> (0, 0, 0)>
module attributes {stable_mosaic.version = 14 : i64} {
  func.func @seg_sum(%arg0: i32, %arg1: i32, %arg2: memref<10000x128xf32, #tpu.memory_space<hbm>>, %arg3: memref<323584xi32, #tpu.memory_space<hbm>>, %arg4: memref<323584xi32, #tpu.memory_space<hbm>>, %arg5: memref<10240x128xf32, #tpu.memory_space<hbm>>, %arg6: memref<2x10240x128xf32, #tpu.memory_space<hbm>>, %arg7: memref<128xi32, #tpu.memory_space<vmem>>, %arg8: memref<128xi32, #tpu.memory_space<vmem>>, %arg9: memref<128x128xf32, #tpu.memory_space<vmem>>, %arg10: memref<10240x128xf32, #tpu.memory_space<vmem_shared>>, %arg11: memref<!tpu.dma_semaphore, #tpu.memory_space<semaphore_mem>>) attributes {dimension_semantics = [#tpu.dimension_semantics<core_parallel>, #tpu.dimension_semantics<subcore_parallel>], iteration_bounds = array<i64: 2, 16>, scalar_prefetch = 0 : i64, scratch_operands = 5 : i64, tpu.core_type = #tpu.core_type<sc_vector_subcore>, window_params = [{transform_indices = #map}, {transform_indices = #map1}, {transform_indices = #map1}, {transform_indices = #map}, {transform_indices = #map2}]} {
    %mul3A = arith.constant 2 : i32
    %mul3A_0 = arith.muli %arg1, %mul3A : i32
    %add3A = arith.addi %mul3A_0, %arg0 : i32
    %mul3A_1 = arith.constant 640 : i32
    %mul3A_2 = arith.muli %arg1, %mul3A_1 : i32
    "tpu.region"() ({
      %run_scoped3A = tpu.sem_alloc : memref<!tpu.dma_semaphore, #tpu.memory_space<semaphore_mem>>
      %dma_start3A = arith.constant 0 : i32
      %dma_start3A_10 = tpu.memref_slice %arg10[%mul3A_2, %dma_start3A] : memref<10240x128xf32, #tpu.memory_space<vmem_shared>> -> memref<640x128xf32, #tpu.memory_space<vmem_shared>>
      %dma_start3A_11 = arith.constant 0 : i32
      %dma_start3A_12 = tpu.memref_slice %arg5[%mul3A_2, %dma_start3A_11] : memref<10240x128xf32, #tpu.memory_space<hbm>> -> memref<640x128xf32, #tpu.memory_space<hbm>>
      tpu.enqueue_dma source(%dma_start3A_12 : memref<640x128xf32, #tpu.memory_space<hbm>>) target(%dma_start3A_10 : memref<640x128xf32, #tpu.memory_space<vmem_shared>>) target_semaphore(%run_scoped3A : memref<!tpu.dma_semaphore, #tpu.memory_space<semaphore_mem>>)
      %dma_wait3A = arith.constant 0 : i32
      %dma_wait3A_13 = tpu.memref_slice %arg10[%mul3A_2, %dma_wait3A] : memref<10240x128xf32, #tpu.memory_space<vmem_shared>> -> memref<640x128xf32, #tpu.memory_space<vmem_shared>>
      %dma_wait3A_14 = arith.constant 0 : i32
      %dma_wait3A_15 = tpu.memref_slice %arg5[%mul3A_2, %dma_wait3A_14] : memref<10240x128xf32, #tpu.memory_space<hbm>> -> memref<640x128xf32, #tpu.memory_space<hbm>>
      tpu.wait_dma2 semaphore(%run_scoped3A : memref<!tpu.dma_semaphore, #tpu.memory_space<semaphore_mem>>) src(%dma_wait3A_15 : memref<640x128xf32, #tpu.memory_space<hbm>>) dst(%dma_wait3A_13 : memref<640x128xf32, #tpu.memory_space<vmem_shared>>)
      tpu.yield
    }) : () -> ()
    %barrier3A = arith.constant 0 : index
    tpu.barrier barrier_id(%barrier3A)
    %scan3A = arith.constant 0 : i32
    %scan3A_3 = arith.constant 0 : i32
    %scan3A_4 = arith.constant 79 : i32
    %scan3A_5 = arith.addi %scan3A_3, %scan3A_4 : i32
    %scan3A_6 = arith.constant 1 : i32
    %scan3A_7 = scf.for %scan3A_10 = %scan3A_3 to %scan3A_5 step %scan3A_6 iter_args(%scan3A_11 = %scan3A) -> (i32)  : i32 {
      %mul3A_12 = arith.constant 10112 : i32
      %mul3A_13 = arith.muli %add3A, %mul3A_12 : i32
      %mul3A_14 = arith.constant 128 : i32
      %mul3A_15 = arith.muli %scan3A_10, %mul3A_14 : i32
      %add3A_16 = arith.addi %mul3A_13, %mul3A_15 : i32
      "tpu.region"() ({
        %run_scoped3A = tpu.sem_alloc : memref<!tpu.dma_semaphore, #tpu.memory_space<semaphore_mem>>
        %dma_start3A_22 = tpu.memref_slice %arg3[%add3A_16] : memref<323584xi32, #tpu.memory_space<hbm>> -> memref<128xi32, #tpu.memory_space<hbm>>
        %dma_start3A_23 = tpu.memref_slice %arg3[%add3A_16] : memref<323584xi32, #tpu.memory_space<hbm>> -> memref<128xi32, #tpu.memory_space<hbm>>
        tpu.enqueue_dma source(%dma_start3A_23 : memref<128xi32, #tpu.memory_space<hbm>>) target(%arg7 : memref<128xi32, #tpu.memory_space<vmem>>) target_semaphore(%run_scoped3A : memref<!tpu.dma_semaphore, #tpu.memory_space<semaphore_mem>>)
        %dma_wait3A_24 = tpu.memref_slice %arg3[%add3A_16] : memref<323584xi32, #tpu.memory_space<hbm>> -> memref<128xi32, #tpu.memory_space<hbm>>
        %dma_wait3A_25 = tpu.memref_slice %arg3[%add3A_16] : memref<323584xi32, #tpu.memory_space<hbm>> -> memref<128xi32, #tpu.memory_space<hbm>>
        tpu.wait_dma2 semaphore(%run_scoped3A : memref<!tpu.dma_semaphore, #tpu.memory_space<semaphore_mem>>) src(%dma_wait3A_25 : memref<128xi32, #tpu.memory_space<hbm>>) dst(%arg7 : memref<128xi32, #tpu.memory_space<vmem>>)
        tpu.yield
      }) : () -> ()
      "tpu.region"() ({
        %run_scoped3A = tpu.sem_alloc : memref<!tpu.dma_semaphore, #tpu.memory_space<semaphore_mem>>
        %dma_start3A_22 = tpu.memref_slice %arg4[%add3A_16] : memref<323584xi32, #tpu.memory_space<hbm>> -> memref<128xi32, #tpu.memory_space<hbm>>
        %dma_start3A_23 = tpu.memref_slice %arg4[%add3A_16] : memref<323584xi32, #tpu.memory_space<hbm>> -> memref<128xi32, #tpu.memory_space<hbm>>
        tpu.enqueue_dma source(%dma_start3A_23 : memref<128xi32, #tpu.memory_space<hbm>>) target(%arg8 : memref<128xi32, #tpu.memory_space<vmem>>) target_semaphore(%run_scoped3A : memref<!tpu.dma_semaphore, #tpu.memory_space<semaphore_mem>>)
        %dma_wait3A_24 = tpu.memref_slice %arg4[%add3A_16] : memref<323584xi32, #tpu.memory_space<hbm>> -> memref<128xi32, #tpu.memory_space<hbm>>
        %dma_wait3A_25 = tpu.memref_slice %arg4[%add3A_16] : memref<323584xi32, #tpu.memory_space<hbm>> -> memref<128xi32, #tpu.memory_space<hbm>>
        tpu.wait_dma2 semaphore(%run_scoped3A : memref<!tpu.dma_semaphore, #tpu.memory_space<semaphore_mem>>) src(%dma_wait3A_25 : memref<128xi32, #tpu.memory_space<hbm>>) dst(%arg8 : memref<128xi32, #tpu.memory_space<vmem>>)
        tpu.yield
      }) : () -> ()
      %dma_start3A = arith.constant 0 : i32
      %dma_start3A_17 = arith.constant 0 : i32
      %dma_start3A_18 = tpu.memref_slice %arg2[%dma_start3A, %dma_start3A_17] : memref<10000x128xf32, #tpu.memory_space<hbm>> -> memref<10000x128xf32, #tpu.memory_space<hbm>>
      tpu.enqueue_indirect_dma source(%dma_start3A_18 : memref<10000x128xf32, #tpu.memory_space<hbm>>) target(%arg9 : memref<128x128xf32, #tpu.memory_space<vmem>>) offsets(%arg7 : memref<128xi32, #tpu.memory_space<vmem>>) semaphore(%arg11 : memref<!tpu.dma_semaphore, #tpu.memory_space<semaphore_mem>>)
      %dma_wait3A = arith.constant 0 : i32
      %dma_wait3A_19 = arith.constant 0 : i32
      %dma_wait3A_20 = tpu.memref_slice %arg2[%dma_wait3A, %dma_wait3A_19] : memref<10000x128xf32, #tpu.memory_space<hbm>> -> memref<10000x128xf32, #tpu.memory_space<hbm>>
      tpu.wait_indirect_dma semaphore(%arg11 : memref<!tpu.dma_semaphore, #tpu.memory_space<semaphore_mem>>) src(%dma_wait3A_20 : memref<10000x128xf32, #tpu.memory_space<hbm>>) dst(%arg9 : memref<128x128xf32, #tpu.memory_space<vmem>>)
      "tpu.region"() ({
        %run_scoped3A = tpu.sem_alloc : memref<!tpu.dma_semaphore, #tpu.memory_space<semaphore_mem>>
        %dma_start3A_22 = arith.constant 0 : i32
        %dma_start3A_23 = arith.constant 0 : i32
        %dma_start3A_24 = tpu.memref_slice %arg10[%dma_start3A_22, %dma_start3A_23] : memref<10240x128xf32, #tpu.memory_space<vmem_shared>> -> memref<10240x128xf32, #tpu.memory_space<vmem_shared>>
        tpu.enqueue_indirect_dma source(%arg9 : memref<128x128xf32, #tpu.memory_space<vmem>>) target(%dma_start3A_24 : memref<10240x128xf32, #tpu.memory_space<vmem_shared>>) offsets(%arg8 : memref<128xi32, #tpu.memory_space<vmem>>) semaphore(%run_scoped3A : memref<!tpu.dma_semaphore, #tpu.memory_space<semaphore_mem>>) {add = true}
        %dma_wait3A_25 = arith.constant 0 : i32
        %dma_wait3A_26 = arith.constant 0 : i32
        %dma_wait3A_27 = tpu.memref_slice %arg10[%dma_wait3A_25, %dma_wait3A_26] : memref<10240x128xf32, #tpu.memory_space<vmem_shared>> -> memref<10240x128xf32, #tpu.memory_space<vmem_shared>>
        tpu.wait_indirect_dma semaphore(%run_scoped3A : memref<!tpu.dma_semaphore, #tpu.memory_space<semaphore_mem>>) src(%arg9 : memref<128x128xf32, #tpu.memory_space<vmem>>) dst(%dma_wait3A_27 : memref<10240x128xf32, #tpu.memory_space<vmem_shared>>)
        tpu.yield
      }) : () -> ()
      %scan3A_21 = arith.constant 0 : i32
      scf.yield %scan3A_21 : i32
    }
    %scan3A_8 = arith.constant 79 : i32
    %barrier3A_9 = arith.constant 0 : index
    tpu.barrier barrier_id(%barrier3A_9)
    "tpu.region"() ({
      %run_scoped3A = tpu.sem_alloc : memref<!tpu.dma_semaphore, #tpu.memory_space<semaphore_mem>>
      %dma_start3A = arith.constant 0 : i32
      %dma_start3A_10 = tpu.memref_slice %arg6[%arg0, %mul3A_2, %dma_start3A] : memref<2x10240x128xf32, #tpu.memory_space<hbm>> -> memref<1x640x128xf32, #tpu.memory_space<hbm>>
      %dma_start3A_11 = tpu.memref_squeeze %dma_start3A_10 : memref<1x640x128xf32, #tpu.memory_space<hbm>> -> memref<640x128xf32, #tpu.memory_space<hbm>>
      %dma_start3A_12 = arith.constant 0 : i32
      %dma_start3A_13 = tpu.memref_slice %arg10[%mul3A_2, %dma_start3A_12] : memref<10240x128xf32, #tpu.memory_space<vmem_shared>> -> memref<640x128xf32, #tpu.memory_space<vmem_shared>>
      tpu.enqueue_dma source(%dma_start3A_13 : memref<640x128xf32, #tpu.memory_space<vmem_shared>>) target(%dma_start3A_11 : memref<640x128xf32, #tpu.memory_space<hbm>>) target_semaphore(%run_scoped3A : memref<!tpu.dma_semaphore, #tpu.memory_space<semaphore_mem>>)
      %dma_wait3A = arith.constant 0 : i32
      %dma_wait3A_14 = tpu.memref_slice %arg6[%arg0, %mul3A_2, %dma_wait3A] : memref<2x10240x128xf32, #tpu.memory_space<hbm>> -> memref<1x640x128xf32, #tpu.memory_space<hbm>>
      %dma_wait3A_15 = tpu.memref_squeeze %dma_wait3A_14 : memref<1x640x128xf32, #tpu.memory_space<hbm>> -> memref<640x128xf32, #tpu.memory_space<hbm>>
      %dma_wait3A_16 = arith.constant 0 : i32
      %dma_wait3A_17 = tpu.memref_slice %arg10[%mul3A_2, %dma_wait3A_16] : memref<10240x128xf32, #tpu.memory_space<vmem_shared>> -> memref<640x128xf32, #tpu.memory_space<vmem_shared>>
      tpu.wait_dma2 semaphore(%run_scoped3A : memref<!tpu.dma_semaphore, #tpu.memory_space<semaphore_mem>>) src(%dma_wait3A_17 : memref<640x128xf32, #tpu.memory_space<vmem_shared>>) dst(%dma_wait3A_15 : memref<640x128xf32, #tpu.memory_space<hbm>>)
      tpu.yield
    }) : () -> ()
    return
  }
}

#map = affine_map<(d0, d1) -> (0, 0)>
#map1 = affine_map<(d0, d1) -> (0)>
#map2 = affine_map<(d0, d1) -> (0, 0, 0)>
module attributes {stable_mosaic.version = 14 : i64} {
  func.func @seg_sum(%arg0: i32, %arg1: i32, %arg2: memref<10000x128xf32, #tpu.memory_space<hbm>>, %arg3: memref<323584xi32, #tpu.memory_space<hbm>>, %arg4: memref<323584xi32, #tpu.memory_space<hbm>>, %arg5: memref<10240x128xf32, #tpu.memory_space<hbm>>, %arg6: memref<2x10240x128xf32, #tpu.memory_space<hbm>>, %arg7: memref<128xi32, #tpu.memory_space<vmem>>, %arg8: memref<128xi32, #tpu.memory_space<vmem>>, %arg9: memref<128x128xf32, #tpu.memory_space<vmem>>, %arg10: memref<10240x128xf32, #tpu.memory_space<vmem_shared>>, %arg11: memref<!tpu.dma_semaphore, #tpu.memory_space<semaphore_mem>>) attributes {dimension_semantics = [#tpu.dimension_semantics<core_parallel>, #tpu.dimension_semantics<subcore_parallel>], iteration_bounds = array<i64: 2, 16>, scalar_prefetch = 0 : i64, scratch_operands = 5 : i64, tpu.core_type = #tpu.core_type<sc_vector_subcore>, window_params = [{transform_indices = #map}, {transform_indices = #map1}, {transform_indices = #map1}, {transform_indices = #map}, {transform_indices = #map2}]} {
    %mul3A = arith.constant 2 : i32
    %mul3A_0 = arith.muli %arg1, %mul3A : i32
    %add3A = arith.addi %mul3A_0, %arg0 : i32
    %mul3A_1 = arith.constant 640 : i32
    %mul3A_2 = arith.muli %arg1, %mul3A_1 : i32
    "tpu.region"() ({
      %run_scoped3A = tpu.sem_alloc : memref<!tpu.dma_semaphore, #tpu.memory_space<semaphore_mem>>
      %dma_start3A = arith.constant 0 : i32
      %dma_start3A_10 = tpu.memref_slice %arg10[%mul3A_2, %dma_start3A] : memref<10240x128xf32, #tpu.memory_space<vmem_shared>> -> memref<640x128xf32, #tpu.memory_space<vmem_shared>>
      %dma_start3A_11 = arith.constant 0 : i32
      %dma_start3A_12 = tpu.memref_slice %arg5[%mul3A_2, %dma_start3A_11] : memref<10240x128xf32, #tpu.memory_space<hbm>> -> memref<640x128xf32, #tpu.memory_space<hbm>>
      tpu.enqueue_dma source(%dma_start3A_12 : memref<640x128xf32, #tpu.memory_space<hbm>>) target(%dma_start3A_10 : memref<640x128xf32, #tpu.memory_space<vmem_shared>>) target_semaphore(%run_scoped3A : memref<!tpu.dma_semaphore, #tpu.memory_space<semaphore_mem>>)
      %dma_wait3A = arith.constant 0 : i32
      %dma_wait3A_13 = tpu.memref_slice %arg10[%mul3A_2, %dma_wait3A] : memref<10240x128xf32, #tpu.memory_space<vmem_shared>> -> memref<640x128xf32, #tpu.memory_space<vmem_shared>>
      %dma_wait3A_14 = arith.constant 0 : i32
      %dma_wait3A_15 = tpu.memref_slice %arg5[%mul3A_2, %dma_wait3A_14] : memref<10240x128xf32, #tpu.memory_space<hbm>> -> memref<640x128xf32, #tpu.memory_space<hbm>>
      tpu.wait_dma2 semaphore(%run_scoped3A : memref<!tpu.dma_semaphore, #tpu.memory_space<semaphore_mem>>) src(%dma_wait3A_15 : memref<640x128xf32, #tpu.memory_space<hbm>>) dst(%dma_wait3A_13 : memref<640x128xf32, #tpu.memory_space<vmem_shared>>)
      tpu.yield
    }) : () -> ()
    %barrier3A = arith.constant 0 : index
    tpu.barrier barrier_id(%barrier3A)
    %scan3A = arith.constant 0 : i32
    %scan3A_3 = arith.constant 0 : i32
    %scan3A_4 = arith.constant 79 : i32
    %scan3A_5 = arith.addi %scan3A_3, %scan3A_4 : i32
    %scan3A_6 = arith.constant 1 : i32
    %scan3A_7 = scf.for %scan3A_10 = %scan3A_3 to %scan3A_5 step %scan3A_6 iter_args(%scan3A_11 = %scan3A) -> (i32)  : i32 {
      %mul3A_12 = arith.constant 10112 : i32
      %mul3A_13 = arith.muli %add3A, %mul3A_12 : i32
      %mul3A_14 = arith.constant 128 : i32
      %mul3A_15 = arith.muli %scan3A_10, %mul3A_14 : i32
      %add3A_16 = arith.addi %mul3A_13, %mul3A_15 : i32
      "tpu.region"() ({
        %run_scoped3A = tpu.sem_alloc : memref<!tpu.dma_semaphore, #tpu.memory_space<semaphore_mem>>
        %dma_start3A_22 = tpu.memref_slice %arg3[%add3A_16] : memref<323584xi32, #tpu.memory_space<hbm>> -> memref<128xi32, #tpu.memory_space<hbm>>
        %dma_start3A_23 = tpu.memref_slice %arg3[%add3A_16] : memref<323584xi32, #tpu.memory_space<hbm>> -> memref<128xi32, #tpu.memory_space<hbm>>
        tpu.enqueue_dma source(%dma_start3A_23 : memref<128xi32, #tpu.memory_space<hbm>>) target(%arg7 : memref<128xi32, #tpu.memory_space<vmem>>) target_semaphore(%run_scoped3A : memref<!tpu.dma_semaphore, #tpu.memory_space<semaphore_mem>>)
        %dma_wait3A_24 = tpu.memref_slice %arg3[%add3A_16] : memref<323584xi32, #tpu.memory_space<hbm>> -> memref<128xi32, #tpu.memory_space<hbm>>
        %dma_wait3A_25 = tpu.memref_slice %arg3[%add3A_16] : memref<323584xi32, #tpu.memory_space<hbm>> -> memref<128xi32, #tpu.memory_space<hbm>>
        tpu.wait_dma2 semaphore(%run_scoped3A : memref<!tpu.dma_semaphore, #tpu.memory_space<semaphore_mem>>) src(%dma_wait3A_25 : memref<128xi32, #tpu.memory_space<hbm>>) dst(%arg7 : memref<128xi32, #tpu.memory_space<vmem>>)
        tpu.yield
      }) : () -> ()
      "tpu.region"() ({
        %run_scoped3A = tpu.sem_alloc : memref<!tpu.dma_semaphore, #tpu.memory_space<semaphore_mem>>
        %dma_start3A_22 = tpu.memref_slice %arg4[%add3A_16] : memref<323584xi32, #tpu.memory_space<hbm>> -> memref<128xi32, #tpu.memory_space<hbm>>
        %dma_start3A_23 = tpu.memref_slice %arg4[%add3A_16] : memref<323584xi32, #tpu.memory_space<hbm>> -> memref<128xi32, #tpu.memory_space<hbm>>
        tpu.enqueue_dma source(%dma_start3A_23 : memref<128xi32, #tpu.memory_space<hbm>>) target(%arg8 : memref<128xi32, #tpu.memory_space<vmem>>) target_semaphore(%run_scoped3A : memref<!tpu.dma_semaphore, #tpu.memory_space<semaphore_mem>>)
        %dma_wait3A_24 = tpu.memref_slice %arg4[%add3A_16] : memref<323584xi32, #tpu.memory_space<hbm>> -> memref<128xi32, #tpu.memory_space<hbm>>
        %dma_wait3A_25 = tpu.memref_slice %arg4[%add3A_16] : memref<323584xi32, #tpu.memory_space<hbm>> -> memref<128xi32, #tpu.memory_space<hbm>>
        tpu.wait_dma2 semaphore(%run_scoped3A : memref<!tpu.dma_semaphore, #tpu.memory_space<semaphore_mem>>) src(%dma_wait3A_25 : memref<128xi32, #tpu.memory_space<hbm>>) dst(%arg8 : memref<128xi32, #tpu.memory_space<vmem>>)
        tpu.yield
      }) : () -> ()
      %dma_start3A = arith.constant 0 : i32
      %dma_start3A_17 = arith.constant 0 : i32
      %dma_start3A_18 = tpu.memref_slice %arg2[%dma_start3A, %dma_start3A_17] : memref<10000x128xf32, #tpu.memory_space<hbm>> -> memref<10000x128xf32, #tpu.memory_space<hbm>>
      tpu.enqueue_indirect_dma source(%dma_start3A_18 : memref<10000x128xf32, #tpu.memory_space<hbm>>) target(%arg9 : memref<128x128xf32, #tpu.memory_space<vmem>>) offsets(%arg7 : memref<128xi32, #tpu.memory_space<vmem>>) semaphore(%arg11 : memref<!tpu.dma_semaphore, #tpu.memory_space<semaphore_mem>>)
      %dma_wait3A = arith.constant 0 : i32
      %dma_wait3A_19 = arith.constant 0 : i32
      %dma_wait3A_20 = tpu.memref_slice %arg2[%dma_wait3A, %dma_wait3A_19] : memref<10000x128xf32, #tpu.memory_space<hbm>> -> memref<10000x128xf32, #tpu.memory_space<hbm>>
      tpu.wait_indirect_dma semaphore(%arg11 : memref<!tpu.dma_semaphore, #tpu.memory_space<semaphore_mem>>) src(%dma_wait3A_20 : memref<10000x128xf32, #tpu.memory_space<hbm>>) dst(%arg9 : memref<128x128xf32, #tpu.memory_space<vmem>>)
      "tpu.region"() ({
        %run_scoped3A = tpu.sem_alloc : memref<!tpu.dma_semaphore, #tpu.memory_space<semaphore_mem>>
        %dma_start3A_22 = arith.constant 0 : i32
        %dma_start3A_23 = arith.constant 0 : i32
        %dma_start3A_24 = tpu.memref_slice %arg10[%dma_start3A_22, %dma_start3A_23] : memref<10240x128xf32, #tpu.memory_space<vmem_shared>> -> memref<10240x128xf32, #tpu.memory_space<vmem_shared>>
        tpu.enqueue_indirect_dma source(%arg9 : memref<128x128xf32, #tpu.memory_space<vmem>>) target(%dma_start3A_24 : memref<10240x128xf32, #tpu.memory_space<vmem_shared>>) offsets(%arg8 : memref<128xi32, #tpu.memory_space<vmem>>) semaphore(%run_scoped3A : memref<!tpu.dma_semaphore, #tpu.memory_space<semaphore_mem>>) {add = true}
        %dma_wait3A_25 = arith.constant 0 : i32
        %dma_wait3A_26 = arith.constant 0 : i32
        %dma_wait3A_27 = tpu.memref_slice %arg10[%dma_wait3A_25, %dma_wait3A_26] : memref<10240x128xf32, #tpu.memory_space<vmem_shared>> -> memref<10240x128xf32, #tpu.memory_space<vmem_shared>>
        tpu.wait_indirect_dma semaphore(%run_scoped3A : memref<!tpu.dma_semaphore, #tpu.memory_space<semaphore_mem>>) src(%arg9 : memref<128x128xf32, #tpu.memory_space<vmem>>) dst(%dma_wait3A_27 : memref<10240x128xf32, #tpu.memory_space<vmem_shared>>)
        tpu.yield
      }) : () -> ()
      %scan3A_21 = arith.constant 0 : i32
      scf.yield %scan3A_21 : i32
    }
    %scan3A_8 = arith.constant 79 : i32
    %barrier3A_9 = arith.constant 0 : index
    tpu.barrier barrier_id(%barrier3A_9)
    "tpu.region"() ({
      %run_scoped3A = tpu.sem_alloc : memref<!tpu.dma_semaphore, #tpu.memory_space<semaphore_mem>>
      %dma_start3A = arith.constant 0 : i32
      %dma_start3A_10 = tpu.memref_slice %arg6[%arg0, %mul3A_2, %dma_start3A] : memref<2x10240x128xf32, #tpu.memory_space<hbm>> -> memref<1x640x128xf32, #tpu.memory_space<hbm>>
      %dma_start3A_11 = tpu.memref_squeeze %dma_start3A_10 : memref<1x640x128xf32, #tpu.memory_space<hbm>> -> memref<640x128xf32, #tpu.memory_space<hbm>>
      %dma_start3A_12 = arith.constant 0 : i32
      %dma_start3A_13 = tpu.memref_slice %arg10[%mul3A_2, %dma_start3A_12] : memref<10240x128xf32, #tpu.memory_space<vmem_shared>> -> memref<640x128xf32, #tpu.memory_space<vmem_shared>>
      tpu.enqueue_dma source(%dma_start3A_13 : memref<640x128xf32, #tpu.memory_space<vmem_shared>>) target(%dma_start3A_11 : memref<640x128xf32, #tpu.memory_space<hbm>>) target_semaphore(%run_scoped3A : memref<!tpu.dma_semaphore, #tpu.memory_space<semaphore_mem>>)
      %dma_wait3A = arith.constant 0 : i32
      %dma_wait3A_14 = tpu.memref_slice %arg6[%arg0, %mul3A_2, %dma_wait3A] : memref<2x10240x128xf32, #tpu.memory_space<hbm>> -> memref<1x640x128xf32, #tpu.memory_space<hbm>>
      %dma_wait3A_15 = tpu.memref_squeeze %dma_wait3A_14 : memref<1x640x128xf32, #tpu.memory_space<hbm>> -> memref<640x128xf32, #tpu.memory_space<hbm>>
      %dma_wait3A_16 = arith.constant 0 : i32
      %dma_wait3A_17 = tpu.memref_slice %arg10[%mul3A_2, %dma_wait3A_16] : memref<10240x128xf32, #tpu.memory_space<vmem_shared>> -> memref<640x128xf32, #tpu.memory_space<vmem_shared>>
      tpu.wait_dma2 semaphore(%run_scoped3A : memref<!tpu.dma_semaphore, #tpu.memory_space<semaphore_mem>>) src(%dma_wait3A_17 : memref<640x128xf32, #tpu.memory_space<vmem_shared>>) dst(%dma_wait3A_15 : memref<640x128xf32, #tpu.memory_space<hbm>>)
      tpu.yield
    }) : () -> ()
    return
  }
}

#map = affine_map<(d0, d1) -> (0, 0)>
#map1 = affine_map<(d0, d1) -> (0)>
#map2 = affine_map<(d0, d1) -> (0, 0, 0)>
module attributes {stable_mosaic.version = 14 : i64} {
  func.func @seg_sum(%arg0: i32, %arg1: i32, %arg2: memref<10000x128xf32, #tpu.memory_space<hbm>>, %arg3: memref<323584xi32, #tpu.memory_space<hbm>>, %arg4: memref<323584xi32, #tpu.memory_space<hbm>>, %arg5: memref<10240x128xf32, #tpu.memory_space<hbm>>, %arg6: memref<2x10240x128xf32, #tpu.memory_space<hbm>>, %arg7: memref<128xi32, #tpu.memory_space<vmem>>, %arg8: memref<128xi32, #tpu.memory_space<vmem>>, %arg9: memref<128x128xf32, #tpu.memory_space<vmem>>, %arg10: memref<10240x128xf32, #tpu.memory_space<vmem_shared>>, %arg11: memref<!tpu.dma_semaphore, #tpu.memory_space<semaphore_mem>>) attributes {dimension_semantics = [#tpu.dimension_semantics<core_parallel>, #tpu.dimension_semantics<subcore_parallel>], iteration_bounds = array<i64: 2, 16>, scalar_prefetch = 0 : i64, scratch_operands = 5 : i64, tpu.core_type = #tpu.core_type<sc_vector_subcore>, window_params = [{transform_indices = #map}, {transform_indices = #map1}, {transform_indices = #map1}, {transform_indices = #map}, {transform_indices = #map2}]} {
    %mul3A = arith.constant 2 : i32
    %mul3A_0 = arith.muli %arg1, %mul3A : i32
    %add3A = arith.addi %mul3A_0, %arg0 : i32
    %mul3A_1 = arith.constant 640 : i32
    %mul3A_2 = arith.muli %arg1, %mul3A_1 : i32
    "tpu.region"() ({
      %run_scoped3A = tpu.sem_alloc : memref<!tpu.dma_semaphore, #tpu.memory_space<semaphore_mem>>
      %dma_start3A = arith.constant 0 : i32
      %dma_start3A_10 = tpu.memref_slice %arg10[%mul3A_2, %dma_start3A] : memref<10240x128xf32, #tpu.memory_space<vmem_shared>> -> memref<640x128xf32, #tpu.memory_space<vmem_shared>>
      %dma_start3A_11 = arith.constant 0 : i32
      %dma_start3A_12 = tpu.memref_slice %arg5[%mul3A_2, %dma_start3A_11] : memref<10240x128xf32, #tpu.memory_space<hbm>> -> memref<640x128xf32, #tpu.memory_space<hbm>>
      tpu.enqueue_dma source(%dma_start3A_12 : memref<640x128xf32, #tpu.memory_space<hbm>>) target(%dma_start3A_10 : memref<640x128xf32, #tpu.memory_space<vmem_shared>>) target_semaphore(%run_scoped3A : memref<!tpu.dma_semaphore, #tpu.memory_space<semaphore_mem>>)
      %dma_wait3A = arith.constant 0 : i32
      %dma_wait3A_13 = tpu.memref_slice %arg10[%mul3A_2, %dma_wait3A] : memref<10240x128xf32, #tpu.memory_space<vmem_shared>> -> memref<640x128xf32, #tpu.memory_space<vmem_shared>>
      %dma_wait3A_14 = arith.constant 0 : i32
      %dma_wait3A_15 = tpu.memref_slice %arg5[%mul3A_2, %dma_wait3A_14] : memref<10240x128xf32, #tpu.memory_space<hbm>> -> memref<640x128xf32, #tpu.memory_space<hbm>>
      tpu.wait_dma2 semaphore(%run_scoped3A : memref<!tpu.dma_semaphore, #tpu.memory_space<semaphore_mem>>) src(%dma_wait3A_15 : memref<640x128xf32, #tpu.memory_space<hbm>>) dst(%dma_wait3A_13 : memref<640x128xf32, #tpu.memory_space<vmem_shared>>)
      tpu.yield
    }) : () -> ()
    %barrier3A = arith.constant 0 : index
    tpu.barrier barrier_id(%barrier3A)
    %scan3A = arith.constant 0 : i32
    %scan3A_3 = arith.constant 0 : i32
    %scan3A_4 = arith.constant 79 : i32
    %scan3A_5 = arith.addi %scan3A_3, %scan3A_4 : i32
    %scan3A_6 = arith.constant 1 : i32
    %scan3A_7 = scf.for %scan3A_10 = %scan3A_3 to %scan3A_5 step %scan3A_6 iter_args(%scan3A_11 = %scan3A) -> (i32)  : i32 {
      %mul3A_12 = arith.constant 10112 : i32
      %mul3A_13 = arith.muli %add3A, %mul3A_12 : i32
      %mul3A_14 = arith.constant 128 : i32
      %mul3A_15 = arith.muli %scan3A_10, %mul3A_14 : i32
      %add3A_16 = arith.addi %mul3A_13, %mul3A_15 : i32
      "tpu.region"() ({
        %run_scoped3A = tpu.sem_alloc : memref<!tpu.dma_semaphore, #tpu.memory_space<semaphore_mem>>
        %dma_start3A_22 = tpu.memref_slice %arg3[%add3A_16] : memref<323584xi32, #tpu.memory_space<hbm>> -> memref<128xi32, #tpu.memory_space<hbm>>
        %dma_start3A_23 = tpu.memref_slice %arg3[%add3A_16] : memref<323584xi32, #tpu.memory_space<hbm>> -> memref<128xi32, #tpu.memory_space<hbm>>
        tpu.enqueue_dma source(%dma_start3A_23 : memref<128xi32, #tpu.memory_space<hbm>>) target(%arg7 : memref<128xi32, #tpu.memory_space<vmem>>) target_semaphore(%run_scoped3A : memref<!tpu.dma_semaphore, #tpu.memory_space<semaphore_mem>>)
        %dma_wait3A_24 = tpu.memref_slice %arg3[%add3A_16] : memref<323584xi32, #tpu.memory_space<hbm>> -> memref<128xi32, #tpu.memory_space<hbm>>
        %dma_wait3A_25 = tpu.memref_slice %arg3[%add3A_16] : memref<323584xi32, #tpu.memory_space<hbm>> -> memref<128xi32, #tpu.memory_space<hbm>>
        tpu.wait_dma2 semaphore(%run_scoped3A : memref<!tpu.dma_semaphore, #tpu.memory_space<semaphore_mem>>) src(%dma_wait3A_25 : memref<128xi32, #tpu.memory_space<hbm>>) dst(%arg7 : memref<128xi32, #tpu.memory_space<vmem>>)
        tpu.yield
      }) : () -> ()
      "tpu.region"() ({
        %run_scoped3A = tpu.sem_alloc : memref<!tpu.dma_semaphore, #tpu.memory_space<semaphore_mem>>
        %dma_start3A_22 = tpu.memref_slice %arg4[%add3A_16] : memref<323584xi32, #tpu.memory_space<hbm>> -> memref<128xi32, #tpu.memory_space<hbm>>
        %dma_start3A_23 = tpu.memref_slice %arg4[%add3A_16] : memref<323584xi32, #tpu.memory_space<hbm>> -> memref<128xi32, #tpu.memory_space<hbm>>
        tpu.enqueue_dma source(%dma_start3A_23 : memref<128xi32, #tpu.memory_space<hbm>>) target(%arg8 : memref<128xi32, #tpu.memory_space<vmem>>) target_semaphore(%run_scoped3A : memref<!tpu.dma_semaphore, #tpu.memory_space<semaphore_mem>>)
        %dma_wait3A_24 = tpu.memref_slice %arg4[%add3A_16] : memref<323584xi32, #tpu.memory_space<hbm>> -> memref<128xi32, #tpu.memory_space<hbm>>
        %dma_wait3A_25 = tpu.memref_slice %arg4[%add3A_16] : memref<323584xi32, #tpu.memory_space<hbm>> -> memref<128xi32, #tpu.memory_space<hbm>>
        tpu.wait_dma2 semaphore(%run_scoped3A : memref<!tpu.dma_semaphore, #tpu.memory_space<semaphore_mem>>) src(%dma_wait3A_25 : memref<128xi32, #tpu.memory_space<hbm>>) dst(%arg8 : memref<128xi32, #tpu.memory_space<vmem>>)
        tpu.yield
      }) : () -> ()
      %dma_start3A = arith.constant 0 : i32
      %dma_start3A_17 = arith.constant 0 : i32
      %dma_start3A_18 = tpu.memref_slice %arg2[%dma_start3A, %dma_start3A_17] : memref<10000x128xf32, #tpu.memory_space<hbm>> -> memref<10000x128xf32, #tpu.memory_space<hbm>>
      tpu.enqueue_indirect_dma source(%dma_start3A_18 : memref<10000x128xf32, #tpu.memory_space<hbm>>) target(%arg9 : memref<128x128xf32, #tpu.memory_space<vmem>>) offsets(%arg7 : memref<128xi32, #tpu.memory_space<vmem>>) semaphore(%arg11 : memref<!tpu.dma_semaphore, #tpu.memory_space<semaphore_mem>>)
      %dma_wait3A = arith.constant 0 : i32
      %dma_wait3A_19 = arith.constant 0 : i32
      %dma_wait3A_20 = tpu.memref_slice %arg2[%dma_wait3A, %dma_wait3A_19] : memref<10000x128xf32, #tpu.memory_space<hbm>> -> memref<10000x128xf32, #tpu.memory_space<hbm>>
      tpu.wait_indirect_dma semaphore(%arg11 : memref<!tpu.dma_semaphore, #tpu.memory_space<semaphore_mem>>) src(%dma_wait3A_20 : memref<10000x128xf32, #tpu.memory_space<hbm>>) dst(%arg9 : memref<128x128xf32, #tpu.memory_space<vmem>>)
      "tpu.region"() ({
        %run_scoped3A = tpu.sem_alloc : memref<!tpu.dma_semaphore, #tpu.memory_space<semaphore_mem>>
        %dma_start3A_22 = arith.constant 0 : i32
        %dma_start3A_23 = arith.constant 0 : i32
        %dma_start3A_24 = tpu.memref_slice %arg10[%dma_start3A_22, %dma_start3A_23] : memref<10240x128xf32, #tpu.memory_space<vmem_shared>> -> memref<10240x128xf32, #tpu.memory_space<vmem_shared>>
        tpu.enqueue_indirect_dma source(%arg9 : memref<128x128xf32, #tpu.memory_space<vmem>>) target(%dma_start3A_24 : memref<10240x128xf32, #tpu.memory_space<vmem_shared>>) offsets(%arg8 : memref<128xi32, #tpu.memory_space<vmem>>) semaphore(%run_scoped3A : memref<!tpu.dma_semaphore, #tpu.memory_space<semaphore_mem>>) {add = true}
        %dma_wait3A_25 = arith.constant 0 : i32
        %dma_wait3A_26 = arith.constant 0 : i32
        %dma_wait3A_27 = tpu.memref_slice %arg10[%dma_wait3A_25, %dma_wait3A_26] : memref<10240x128xf32, #tpu.memory_space<vmem_shared>> -> memref<10240x128xf32, #tpu.memory_space<vmem_shared>>
        tpu.wait_indirect_dma semaphore(%run_scoped3A : memref<!tpu.dma_semaphore, #tpu.memory_space<semaphore_mem>>) src(%arg9 : memref<128x128xf32, #tpu.memory_space<vmem>>) dst(%dma_wait3A_27 : memref<10240x128xf32, #tpu.memory_space<vmem_shared>>)
        tpu.yield
      }) : () -> ()
      %scan3A_21 = arith.constant 0 : i32
      scf.yield %scan3A_21 : i32
    }
    %scan3A_8 = arith.constant 79 : i32
    %barrier3A_9 = arith.constant 0 : index
    tpu.barrier barrier_id(%barrier3A_9)
    "tpu.region"() ({
      %run_scoped3A = tpu.sem_alloc : memref<!tpu.dma_semaphore, #tpu.memory_space<semaphore_mem>>
      %dma_start3A = arith.constant 0 : i32
      %dma_start3A_10 = tpu.memref_slice %arg6[%arg0, %mul3A_2, %dma_start3A] : memref<2x10240x128xf32, #tpu.memory_space<hbm>> -> memref<1x640x128xf32, #tpu.memory_space<hbm>>
      %dma_start3A_11 = tpu.memref_squeeze %dma_start3A_10 : memref<1x640x128xf32, #tpu.memory_space<hbm>> -> memref<640x128xf32, #tpu.memory_space<hbm>>
      %dma_start3A_12 = arith.constant 0 : i32
      %dma_start3A_13 = tpu.memref_slice %arg10[%mul3A_2, %dma_start3A_12] : memref<10240x128xf32, #tpu.memory_space<vmem_shared>> -> memref<640x128xf32, #tpu.memory_space<vmem_shared>>
      tpu.enqueue_dma source(%dma_start3A_13 : memref<640x128xf32, #tpu.memory_space<vmem_shared>>) target(%dma_start3A_11 : memref<640x128xf32, #tpu.memory_space<hbm>>) target_semaphore(%run_scoped3A : memref<!tpu.dma_semaphore, #tpu.memory_space<semaphore_mem>>)
      %dma_wait3A = arith.constant 0 : i32
      %dma_wait3A_14 = tpu.memref_slice %arg6[%arg0, %mul3A_2, %dma_wait3A] : memref<2x10240x128xf32, #tpu.memory_space<hbm>> -> memref<1x640x128xf32, #tpu.memory_space<hbm>>
      %dma_wait3A_15 = tpu.memref_squeeze %dma_wait3A_14 : memref<1x640x128xf32, #tpu.memory_space<hbm>> -> memref<640x128xf32, #tpu.memory_space<hbm>>
      %dma_wait3A_16 = arith.constant 0 : i32
      %dma_wait3A_17 = tpu.memref_slice %arg10[%mul3A_2, %dma_wait3A_16] : memref<10240x128xf32, #tpu.memory_space<vmem_shared>> -> memref<640x128xf32, #tpu.memory_space<vmem_shared>>
      tpu.wait_dma2 semaphore(%run_scoped3A : memref<!tpu.dma_semaphore, #tpu.memory_space<semaphore_mem>>) src(%dma_wait3A_17 : memref<640x128xf32, #tpu.memory_space<vmem_shared>>) dst(%dma_wait3A_15 : memref<640x128xf32, #tpu.memory_space<hbm>>)
      tpu.yield
    }) : () -> ()
    return
  }
}

#map = affine_map<(d0, d1) -> (0, 0)>
#map1 = affine_map<(d0, d1) -> (0)>
#map2 = affine_map<(d0, d1) -> (0, 0, 0)>
module attributes {stable_mosaic.version = 14 : i64} {
  func.func @seg_sum(%arg0: i32, %arg1: i32, %arg2: memref<10000x128xf32, #tpu.memory_space<hbm>>, %arg3: memref<323584xi32, #tpu.memory_space<hbm>>, %arg4: memref<323584xi32, #tpu.memory_space<hbm>>, %arg5: memref<10240x128xf32, #tpu.memory_space<hbm>>, %arg6: memref<2x10240x128xf32, #tpu.memory_space<hbm>>, %arg7: memref<128xi32, #tpu.memory_space<vmem>>, %arg8: memref<128xi32, #tpu.memory_space<vmem>>, %arg9: memref<128x128xf32, #tpu.memory_space<vmem>>, %arg10: memref<10240x128xf32, #tpu.memory_space<vmem_shared>>, %arg11: memref<!tpu.dma_semaphore, #tpu.memory_space<semaphore_mem>>) attributes {dimension_semantics = [#tpu.dimension_semantics<core_parallel>, #tpu.dimension_semantics<subcore_parallel>], iteration_bounds = array<i64: 2, 16>, scalar_prefetch = 0 : i64, scratch_operands = 5 : i64, tpu.core_type = #tpu.core_type<sc_vector_subcore>, window_params = [{transform_indices = #map}, {transform_indices = #map1}, {transform_indices = #map1}, {transform_indices = #map}, {transform_indices = #map2}]} {
    %mul3A = arith.constant 2 : i32
    %mul3A_0 = arith.muli %arg1, %mul3A : i32
    %add3A = arith.addi %mul3A_0, %arg0 : i32
    %mul3A_1 = arith.constant 640 : i32
    %mul3A_2 = arith.muli %arg1, %mul3A_1 : i32
    "tpu.region"() ({
      %run_scoped3A = tpu.sem_alloc : memref<!tpu.dma_semaphore, #tpu.memory_space<semaphore_mem>>
      %dma_start3A = arith.constant 0 : i32
      %dma_start3A_10 = tpu.memref_slice %arg10[%mul3A_2, %dma_start3A] : memref<10240x128xf32, #tpu.memory_space<vmem_shared>> -> memref<640x128xf32, #tpu.memory_space<vmem_shared>>
      %dma_start3A_11 = arith.constant 0 : i32
      %dma_start3A_12 = tpu.memref_slice %arg5[%mul3A_2, %dma_start3A_11] : memref<10240x128xf32, #tpu.memory_space<hbm>> -> memref<640x128xf32, #tpu.memory_space<hbm>>
      tpu.enqueue_dma source(%dma_start3A_12 : memref<640x128xf32, #tpu.memory_space<hbm>>) target(%dma_start3A_10 : memref<640x128xf32, #tpu.memory_space<vmem_shared>>) target_semaphore(%run_scoped3A : memref<!tpu.dma_semaphore, #tpu.memory_space<semaphore_mem>>)
      %dma_wait3A = arith.constant 0 : i32
      %dma_wait3A_13 = tpu.memref_slice %arg10[%mul3A_2, %dma_wait3A] : memref<10240x128xf32, #tpu.memory_space<vmem_shared>> -> memref<640x128xf32, #tpu.memory_space<vmem_shared>>
      %dma_wait3A_14 = arith.constant 0 : i32
      %dma_wait3A_15 = tpu.memref_slice %arg5[%mul3A_2, %dma_wait3A_14] : memref<10240x128xf32, #tpu.memory_space<hbm>> -> memref<640x128xf32, #tpu.memory_space<hbm>>
      tpu.wait_dma2 semaphore(%run_scoped3A : memref<!tpu.dma_semaphore, #tpu.memory_space<semaphore_mem>>) src(%dma_wait3A_15 : memref<640x128xf32, #tpu.memory_space<hbm>>) dst(%dma_wait3A_13 : memref<640x128xf32, #tpu.memory_space<vmem_shared>>)
      tpu.yield
    }) : () -> ()
    %barrier3A = arith.constant 0 : index
    tpu.barrier barrier_id(%barrier3A)
    %scan3A = arith.constant 0 : i32
    %scan3A_3 = arith.constant 0 : i32
    %scan3A_4 = arith.constant 79 : i32
    %scan3A_5 = arith.addi %scan3A_3, %scan3A_4 : i32
    %scan3A_6 = arith.constant 1 : i32
    %scan3A_7 = scf.for %scan3A_10 = %scan3A_3 to %scan3A_5 step %scan3A_6 iter_args(%scan3A_11 = %scan3A) -> (i32)  : i32 {
      %mul3A_12 = arith.constant 10112 : i32
      %mul3A_13 = arith.muli %add3A, %mul3A_12 : i32
      %mul3A_14 = arith.constant 128 : i32
      %mul3A_15 = arith.muli %scan3A_10, %mul3A_14 : i32
      %add3A_16 = arith.addi %mul3A_13, %mul3A_15 : i32
      "tpu.region"() ({
        %run_scoped3A = tpu.sem_alloc : memref<!tpu.dma_semaphore, #tpu.memory_space<semaphore_mem>>
        %dma_start3A_22 = tpu.memref_slice %arg3[%add3A_16] : memref<323584xi32, #tpu.memory_space<hbm>> -> memref<128xi32, #tpu.memory_space<hbm>>
        %dma_start3A_23 = tpu.memref_slice %arg3[%add3A_16] : memref<323584xi32, #tpu.memory_space<hbm>> -> memref<128xi32, #tpu.memory_space<hbm>>
        tpu.enqueue_dma source(%dma_start3A_23 : memref<128xi32, #tpu.memory_space<hbm>>) target(%arg7 : memref<128xi32, #tpu.memory_space<vmem>>) target_semaphore(%run_scoped3A : memref<!tpu.dma_semaphore, #tpu.memory_space<semaphore_mem>>)
        %dma_wait3A_24 = tpu.memref_slice %arg3[%add3A_16] : memref<323584xi32, #tpu.memory_space<hbm>> -> memref<128xi32, #tpu.memory_space<hbm>>
        %dma_wait3A_25 = tpu.memref_slice %arg3[%add3A_16] : memref<323584xi32, #tpu.memory_space<hbm>> -> memref<128xi32, #tpu.memory_space<hbm>>
        tpu.wait_dma2 semaphore(%run_scoped3A : memref<!tpu.dma_semaphore, #tpu.memory_space<semaphore_mem>>) src(%dma_wait3A_25 : memref<128xi32, #tpu.memory_space<hbm>>) dst(%arg7 : memref<128xi32, #tpu.memory_space<vmem>>)
        tpu.yield
      }) : () -> ()
      "tpu.region"() ({
        %run_scoped3A = tpu.sem_alloc : memref<!tpu.dma_semaphore, #tpu.memory_space<semaphore_mem>>
        %dma_start3A_22 = tpu.memref_slice %arg4[%add3A_16] : memref<323584xi32, #tpu.memory_space<hbm>> -> memref<128xi32, #tpu.memory_space<hbm>>
        %dma_start3A_23 = tpu.memref_slice %arg4[%add3A_16] : memref<323584xi32, #tpu.memory_space<hbm>> -> memref<128xi32, #tpu.memory_space<hbm>>
        tpu.enqueue_dma source(%dma_start3A_23 : memref<128xi32, #tpu.memory_space<hbm>>) target(%arg8 : memref<128xi32, #tpu.memory_space<vmem>>) target_semaphore(%run_scoped3A : memref<!tpu.dma_semaphore, #tpu.memory_space<semaphore_mem>>)
        %dma_wait3A_24 = tpu.memref_slice %arg4[%add3A_16] : memref<323584xi32, #tpu.memory_space<hbm>> -> memref<128xi32, #tpu.memory_space<hbm>>
        %dma_wait3A_25 = tpu.memref_slice %arg4[%add3A_16] : memref<323584xi32, #tpu.memory_space<hbm>> -> memref<128xi32, #tpu.memory_space<hbm>>
        tpu.wait_dma2 semaphore(%run_scoped3A : memref<!tpu.dma_semaphore, #tpu.memory_space<semaphore_mem>>) src(%dma_wait3A_25 : memref<128xi32, #tpu.memory_space<hbm>>) dst(%arg8 : memref<128xi32, #tpu.memory_space<vmem>>)
        tpu.yield
      }) : () -> ()
      %dma_start3A = arith.constant 0 : i32
      %dma_start3A_17 = arith.constant 0 : i32
      %dma_start3A_18 = tpu.memref_slice %arg2[%dma_start3A, %dma_start3A_17] : memref<10000x128xf32, #tpu.memory_space<hbm>> -> memref<10000x128xf32, #tpu.memory_space<hbm>>
      tpu.enqueue_indirect_dma source(%dma_start3A_18 : memref<10000x128xf32, #tpu.memory_space<hbm>>) target(%arg9 : memref<128x128xf32, #tpu.memory_space<vmem>>) offsets(%arg7 : memref<128xi32, #tpu.memory_space<vmem>>) semaphore(%arg11 : memref<!tpu.dma_semaphore, #tpu.memory_space<semaphore_mem>>)
      %dma_wait3A = arith.constant 0 : i32
      %dma_wait3A_19 = arith.constant 0 : i32
      %dma_wait3A_20 = tpu.memref_slice %arg2[%dma_wait3A, %dma_wait3A_19] : memref<10000x128xf32, #tpu.memory_space<hbm>> -> memref<10000x128xf32, #tpu.memory_space<hbm>>
      tpu.wait_indirect_dma semaphore(%arg11 : memref<!tpu.dma_semaphore, #tpu.memory_space<semaphore_mem>>) src(%dma_wait3A_20 : memref<10000x128xf32, #tpu.memory_space<hbm>>) dst(%arg9 : memref<128x128xf32, #tpu.memory_space<vmem>>)
      "tpu.region"() ({
        %run_scoped3A = tpu.sem_alloc : memref<!tpu.dma_semaphore, #tpu.memory_space<semaphore_mem>>
        %dma_start3A_22 = arith.constant 0 : i32
        %dma_start3A_23 = arith.constant 0 : i32
        %dma_start3A_24 = tpu.memref_slice %arg10[%dma_start3A_22, %dma_start3A_23] : memref<10240x128xf32, #tpu.memory_space<vmem_shared>> -> memref<10240x128xf32, #tpu.memory_space<vmem_shared>>
        tpu.enqueue_indirect_dma source(%arg9 : memref<128x128xf32, #tpu.memory_space<vmem>>) target(%dma_start3A_24 : memref<10240x128xf32, #tpu.memory_space<vmem_shared>>) offsets(%arg8 : memref<128xi32, #tpu.memory_space<vmem>>) semaphore(%run_scoped3A : memref<!tpu.dma_semaphore, #tpu.memory_space<semaphore_mem>>) {add = true}
        %dma_wait3A_25 = arith.constant 0 : i32
        %dma_wait3A_26 = arith.constant 0 : i32
        %dma_wait3A_27 = tpu.memref_slice %arg10[%dma_wait3A_25, %dma_wait3A_26] : memref<10240x128xf32, #tpu.memory_space<vmem_shared>> -> memref<10240x128xf32, #tpu.memory_space<vmem_shared>>
        tpu.wait_indirect_dma semaphore(%run_scoped3A : memref<!tpu.dma_semaphore, #tpu.memory_space<semaphore_mem>>) src(%arg9 : memref<128x128xf32, #tpu.memory_space<vmem>>) dst(%dma_wait3A_27 : memref<10240x128xf32, #tpu.memory_space<vmem_shared>>)
        tpu.yield
      }) : () -> ()
      %scan3A_21 = arith.constant 0 : i32
      scf.yield %scan3A_21 : i32
    }
    %scan3A_8 = arith.constant 79 : i32
    %barrier3A_9 = arith.constant 0 : index
    tpu.barrier barrier_id(%barrier3A_9)
    "tpu.region"() ({
      %run_scoped3A = tpu.sem_alloc : memref<!tpu.dma_semaphore, #tpu.memory_space<semaphore_mem>>
      %dma_start3A = arith.constant 0 : i32
      %dma_start3A_10 = tpu.memref_slice %arg6[%arg0, %mul3A_2, %dma_start3A] : memref<2x10240x128xf32, #tpu.memory_space<hbm>> -> memref<1x640x128xf32, #tpu.memory_space<hbm>>
      %dma_start3A_11 = tpu.memref_squeeze %dma_start3A_10 : memref<1x640x128xf32, #tpu.memory_space<hbm>> -> memref<640x128xf32, #tpu.memory_space<hbm>>
      %dma_start3A_12 = arith.constant 0 : i32
      %dma_start3A_13 = tpu.memref_slice %arg10[%mul3A_2, %dma_start3A_12] : memref<10240x128xf32, #tpu.memory_space<vmem_shared>> -> memref<640x128xf32, #tpu.memory_space<vmem_shared>>
      tpu.enqueue_dma source(%dma_start3A_13 : memref<640x128xf32, #tpu.memory_space<vmem_shared>>) target(%dma_start3A_11 : memref<640x128xf32, #tpu.memory_space<hbm>>) target_semaphore(%run_scoped3A : memref<!tpu.dma_semaphore, #tpu.memory_space<semaphore_mem>>)
      %dma_wait3A = arith.constant 0 : i32
      %dma_wait3A_14 = tpu.memref_slice %arg6[%arg0, %mul3A_2, %dma_wait3A] : memref<2x10240x128xf32, #tpu.memory_space<hbm>> -> memref<1x640x128xf32, #tpu.memory_space<hbm>>
      %dma_wait3A_15 = tpu.memref_squeeze %dma_wait3A_14 : memref<1x640x128xf32, #tpu.memory_space<hbm>> -> memref<640x128xf32, #tpu.memory_space<hbm>>
      %dma_wait3A_16 = arith.constant 0 : i32
      %dma_wait3A_17 = tpu.memref_slice %arg10[%mul3A_2, %dma_wait3A_16] : memref<10240x128xf32, #tpu.memory_space<vmem_shared>> -> memref<640x128xf32, #tpu.memory_space<vmem_shared>>
      tpu.wait_dma2 semaphore(%run_scoped3A : memref<!tpu.dma_semaphore, #tpu.memory_space<semaphore_mem>>) src(%dma_wait3A_17 : memref<640x128xf32, #tpu.memory_space<vmem_shared>>) dst(%dma_wait3A_15 : memref<640x128xf32, #tpu.memory_space<hbm>>)
      tpu.yield
    }) : () -> ()
    return
  }
}

module attributes {stable_mosaic.version = 14 : i64} {
  func.func @_tc_layer_body(%arg0: memref<10000x128xf32, #tpu.memory_space<vmem>>, %arg1: memref<10000x128xf32, #tpu.memory_space<vmem>>, %arg2: memref<10000x128xf32, #tpu.memory_space<vmem>>, %arg3: memref<128x128xf32, #tpu.memory_space<vmem>>, %arg4: memref<1x128xf32, #tpu.memory_space<vmem>>, %arg5: memref<128x128xf32, #tpu.memory_space<vmem>>, %arg6: memref<1x128xf32, #tpu.memory_space<vmem>>, %arg7: memref<1x128xf32, #tpu.memory_space<vmem>>, %arg8: memref<1x128xf32, #tpu.memory_space<vmem>>, %arg9: memref<1x128xf32, #tpu.memory_space<vmem>>, %arg10: memref<1x128xf32, #tpu.memory_space<vmem>>, %arg11: memref<1x128xf32, #tpu.memory_space<vmem>>, %arg12: memref<1x128xf32, #tpu.memory_space<vmem>>, %arg13: memref<10000x128xf32, #tpu.memory_space<vmem>>, %arg14: memref<1x128xf32, #tpu.memory_space<vmem>>) attributes {dimension_semantics = [], scalar_prefetch = 0 : i64, scratch_operands = 0 : i64, tpu.core_type = #tpu.core_type<tc>} {
    %get3A = arith.constant 0 : index
    %get3A_0 = arith.constant 0 : index
    %get3A_1 = vector.load %arg0[%get3A, %get3A_0] : memref<10000x128xf32, #tpu.memory_space<vmem>>, vector<10000x128xf32>
    %reduce_sum3A = arith.constant dense<0.000000e+00> : vector<128xf32>
    %reduce_sum3A_2 = vector.multi_reduction <add>, %get3A_1, %reduce_sum3A [0] : vector<10000x128xf32> to vector<128xf32>
    %swap3A = arith.constant 0 : index
    %swap3A_3 = arith.constant 0 : index
    %swap3A_4 = vector.load %arg14[%swap3A, %swap3A_3] : memref<1x128xf32, #tpu.memory_space<vmem>>, vector<1x128xf32>
    %swap3A_5 = vector.shape_cast %swap3A_4 : vector<1x128xf32> to vector<128xf32>
    %swap3A_6 = vector.shape_cast %reduce_sum3A_2 : vector<128xf32> to vector<1x128xf32>
    tpu.vector_store %arg14[%swap3A, %swap3A_3], %swap3A_6 {strides = array<i32>} : memref<1x128xf32, #tpu.memory_space<vmem>>, vector<1x128xf32>,
    %get3A_7 = arith.constant 0 : index
    %get3A_8 = arith.constant 0 : index
    %get3A_9 = vector.load %arg1[%get3A_7, %get3A_8] : memref<10000x128xf32, #tpu.memory_space<vmem>>, vector<10000x128xf32>
    %add3A = arith.addf %get3A_1, %get3A_9 : vector<10000x128xf32>
    %get3A_10 = arith.constant 0 : index
    %get3A_11 = arith.constant 0 : index
    %get3A_12 = vector.load %arg2[%get3A_10, %get3A_11] : memref<10000x128xf32, #tpu.memory_space<vmem>>, vector<10000x128xf32>
    %add3A_13 = arith.addf %add3A, %get3A_12 : vector<10000x128xf32>
    %get3A_14 = arith.constant 0 : index
    %get3A_15 = arith.constant 0 : index
    %get3A_16 = vector.load %arg3[%get3A_14, %get3A_15] : memref<128x128xf32, #tpu.memory_space<vmem>>, vector<128x128xf32>
    %dot_general3A = arith.constant dense<0.000000e+00> : vector<10000x128xf32>
    %dot_general3A_17 = tpu.matmul %add3A_13, %get3A_16, %dot_general3A {dimension_numbers = #tpu.dot_dimension_numbers<[1], [0], [0], [1], [0, 0, 1, 1], [], []>, transpose_lhs_hint = false} : vector<10000x128xf32>, vector<128x128xf32>, vector<10000x128xf32> -> vector<10000x128xf32>
    %get3A_18 = arith.constant 0 : index
    %get3A_19 = arith.constant 0 : index
    %get3A_20 = vector.load %arg4[%get3A_18, %get3A_19] : memref<1x128xf32, #tpu.memory_space<vmem>>, vector<1x128xf32>
    %get3A_21 = vector.shape_cast %get3A_20 : vector<1x128xf32> to vector<128xf32>
    %broadcast_in_dim3A = vector.shape_cast %get3A_21 : vector<128xf32> to vector<1x128xf32>
    %add3A_22 = vector.broadcast %broadcast_in_dim3A : vector<1x128xf32> to vector<10000x128xf32>
    %add3A_23 = arith.addf %dot_general3A_17, %add3A_22 : vector<10000x128xf32>
    %reduce_sum3A_24 = arith.constant dense<0.000000e+00> : vector<128xf32>
    %reduce_sum3A_25 = vector.multi_reduction <add>, %add3A_23, %reduce_sum3A_24 [0] : vector<10000x128xf32> to vector<128xf32>
    %div3A = arith.constant 1.000000e+04 : f32
    %div3A_26 = vector.broadcast %div3A : f32 to vector<128xf32>
    %div3A_27 = arith.divf %reduce_sum3A_25, %div3A_26 : vector<128xf32>
    %mul3A = arith.mulf %add3A_23, %add3A_23 : vector<10000x128xf32>
    %reduce_sum3A_28 = arith.constant dense<0.000000e+00> : vector<128xf32>
    %reduce_sum3A_29 = vector.multi_reduction <add>, %mul3A, %reduce_sum3A_28 [0] : vector<10000x128xf32> to vector<128xf32>
    %div3A_30 = arith.constant 1.000000e+04 : f32
    %div3A_31 = vector.broadcast %div3A_30 : f32 to vector<128xf32>
    %div3A_32 = arith.divf %reduce_sum3A_29, %div3A_31 : vector<128xf32>
    %mul3A_33 = arith.mulf %div3A_27, %div3A_27 : vector<128xf32>
    %sub3A = arith.subf %div3A_32, %mul3A_33 : vector<128xf32>
    %broadcast_in_dim3A_34 = vector.shape_cast %div3A_27 : vector<128xf32> to vector<1x128xf32>
    %sub3A_35 = vector.broadcast %broadcast_in_dim3A_34 : vector<1x128xf32> to vector<10000x128xf32>
    %sub3A_36 = arith.subf %add3A_23, %sub3A_35 : vector<10000x128xf32>
    %add3A_37 = arith.constant 9.99999974E-6 : f32
    %add3A_38 = vector.broadcast %add3A_37 : f32 to vector<128xf32>
    %add3A_39 = arith.addf %sub3A, %add3A_38 : vector<128xf32>
    %rsqrt3A = math.rsqrt %add3A_39 : vector<128xf32>
    %broadcast_in_dim3A_40 = vector.shape_cast %rsqrt3A : vector<128xf32> to vector<1x128xf32>
    %mul3A_41 = vector.broadcast %broadcast_in_dim3A_40 : vector<1x128xf32> to vector<10000x128xf32>
    %mul3A_42 = arith.mulf %sub3A_36, %mul3A_41 : vector<10000x128xf32>
    %get3A_43 = arith.constant 0 : index
    %get3A_44 = arith.constant 0 : index
    %get3A_45 = vector.load %arg7[%get3A_43, %get3A_44] : memref<1x128xf32, #tpu.memory_space<vmem>>, vector<1x128xf32>
    %get3A_46 = vector.shape_cast %get3A_45 : vector<1x128xf32> to vector<128xf32>
    %broadcast_in_dim3A_47 = vector.shape_cast %get3A_46 : vector<128xf32> to vector<1x128xf32>
    %mul3A_48 = vector.broadcast %broadcast_in_dim3A_47 : vector<1x128xf32> to vector<10000x128xf32>
    %mul3A_49 = arith.mulf %mul3A_42, %mul3A_48 : vector<10000x128xf32>
    %get3A_50 = arith.constant 0 : index
    %get3A_51 = arith.constant 0 : index
    %get3A_52 = vector.load %arg8[%get3A_50, %get3A_51] : memref<1x128xf32, #tpu.memory_space<vmem>>, vector<1x128xf32>
    %get3A_53 = vector.shape_cast %get3A_52 : vector<1x128xf32> to vector<128xf32>
    %broadcast_in_dim3A_54 = vector.shape_cast %get3A_53 : vector<128xf32> to vector<1x128xf32>
    %add3A_55 = vector.broadcast %broadcast_in_dim3A_54 : vector<1x128xf32> to vector<10000x128xf32>
    %add3A_56 = arith.addf %mul3A_49, %add3A_55 : vector<10000x128xf32>
    %max3A = arith.constant 0.000000e+00 : f32
    %max3A_57 = vector.broadcast %max3A : f32 to vector<10000x128xf32>
    %max3A_58 = arith.maximumf %add3A_56, %max3A_57 : vector<10000x128xf32>
    %get3A_59 = arith.constant 0 : index
    %get3A_60 = arith.constant 0 : index
    %get3A_61 = vector.load %arg5[%get3A_59, %get3A_60] : memref<128x128xf32, #tpu.memory_space<vmem>>, vector<128x128xf32>
    %dot_general3A_62 = arith.constant dense<0.000000e+00> : vector<10000x128xf32>
    %dot_general3A_63 = tpu.matmul %max3A_58, %get3A_61, %dot_general3A_62 {dimension_numbers = #tpu.dot_dimension_numbers<[1], [0], [0], [1], [0, 0, 1, 1], [], []>, transpose_lhs_hint = false} : vector<10000x128xf32>, vector<128x128xf32>, vector<10000x128xf32> -> vector<10000x128xf32>
    %get3A_64 = arith.constant 0 : index
    %get3A_65 = arith.constant 0 : index
    %get3A_66 = vector.load %arg6[%get3A_64, %get3A_65] : memref<1x128xf32, #tpu.memory_space<vmem>>, vector<1x128xf32>
    %get3A_67 = vector.shape_cast %get3A_66 : vector<1x128xf32> to vector<128xf32>
    %broadcast_in_dim3A_68 = vector.shape_cast %get3A_67 : vector<128xf32> to vector<1x128xf32>
    %add3A_69 = vector.broadcast %broadcast_in_dim3A_68 : vector<1x128xf32> to vector<10000x128xf32>
    %add3A_70 = arith.addf %dot_general3A_63, %add3A_69 : vector<10000x128xf32>
    %reduce_sum3A_71 = arith.constant dense<0.000000e+00> : vector<128xf32>
    %reduce_sum3A_72 = vector.multi_reduction <add>, %add3A_70, %reduce_sum3A_71 [0] : vector<10000x128xf32> to vector<128xf32>
    %div3A_73 = arith.constant 1.000000e+04 : f32
    %div3A_74 = vector.broadcast %div3A_73 : f32 to vector<128xf32>
    %div3A_75 = arith.divf %reduce_sum3A_72, %div3A_74 : vector<128xf32>
    %mul3A_76 = arith.mulf %add3A_70, %add3A_70 : vector<10000x128xf32>
    %reduce_sum3A_77 = arith.constant dense<0.000000e+00> : vector<128xf32>
    %reduce_sum3A_78 = vector.multi_reduction <add>, %mul3A_76, %reduce_sum3A_77 [0] : vector<10000x128xf32> to vector<128xf32>
    %div3A_79 = arith.constant 1.000000e+04 : f32
    %div3A_80 = vector.broadcast %div3A_79 : f32 to vector<128xf32>
    %div3A_81 = arith.divf %reduce_sum3A_78, %div3A_80 : vector<128xf32>
    %mul3A_82 = arith.mulf %div3A_75, %div3A_75 : vector<128xf32>
    %sub3A_83 = arith.subf %div3A_81, %mul3A_82 : vector<128xf32>
    %broadcast_in_dim3A_84 = vector.shape_cast %div3A_75 : vector<128xf32> to vector<1x128xf32>
    %sub3A_85 = vector.broadcast %broadcast_in_dim3A_84 : vector<1x128xf32> to vector<10000x128xf32>
    %sub3A_86 = arith.subf %add3A_70, %sub3A_85 : vector<10000x128xf32>
    %add3A_87 = arith.constant 9.99999974E-6 : f32
    %add3A_88 = vector.broadcast %add3A_87 : f32 to vector<128xf32>
    %add3A_89 = arith.addf %sub3A_83, %add3A_88 : vector<128xf32>
    %rsqrt3A_90 = math.rsqrt %add3A_89 : vector<128xf32>
    %broadcast_in_dim3A_91 = vector.shape_cast %rsqrt3A_90 : vector<128xf32> to vector<1x128xf32>
    %mul3A_92 = vector.broadcast %broadcast_in_dim3A_91 : vector<1x128xf32> to vector<10000x128xf32>
    %mul3A_93 = arith.mulf %sub3A_86, %mul3A_92 : vector<10000x128xf32>
    %get3A_94 = arith.constant 0 : index
    %get3A_95 = arith.constant 0 : index
    %get3A_96 = vector.load %arg9[%get3A_94, %get3A_95] : memref<1x128xf32, #tpu.memory_space<vmem>>, vector<1x128xf32>
    %get3A_97 = vector.shape_cast %get3A_96 : vector<1x128xf32> to vector<128xf32>
    %broadcast_in_dim3A_98 = vector.shape_cast %get3A_97 : vector<128xf32> to vector<1x128xf32>
    %mul3A_99 = vector.broadcast %broadcast_in_dim3A_98 : vector<1x128xf32> to vector<10000x128xf32>
    %mul3A_100 = arith.mulf %mul3A_93, %mul3A_99 : vector<10000x128xf32>
    %get3A_101 = arith.constant 0 : index
    %get3A_102 = arith.constant 0 : index
    %get3A_103 = vector.load %arg10[%get3A_101, %get3A_102] : memref<1x128xf32, #tpu.memory_space<vmem>>, vector<1x128xf32>
    %get3A_104 = vector.shape_cast %get3A_103 : vector<1x128xf32> to vector<128xf32>
    %broadcast_in_dim3A_105 = vector.shape_cast %get3A_104 : vector<128xf32> to vector<1x128xf32>
    %add3A_106 = vector.broadcast %broadcast_in_dim3A_105 : vector<1x128xf32> to vector<10000x128xf32>
    %add3A_107 = arith.addf %mul3A_100, %add3A_106 : vector<10000x128xf32>
    %max3A_108 = arith.constant 0.000000e+00 : f32
    %max3A_109 = vector.broadcast %max3A_108 : f32 to vector<10000x128xf32>
    %max3A_110 = arith.maximumf %add3A_107, %max3A_109 : vector<10000x128xf32>
    %reduce_sum3A_111 = arith.constant dense<0.000000e+00> : vector<128xf32>
    %reduce_sum3A_112 = vector.multi_reduction <add>, %max3A_110, %reduce_sum3A_111 [0] : vector<10000x128xf32> to vector<128xf32>
    %div3A_113 = arith.constant 1.000000e+04 : f32
    %div3A_114 = vector.broadcast %div3A_113 : f32 to vector<128xf32>
    %div3A_115 = arith.divf %reduce_sum3A_112, %div3A_114 : vector<128xf32>
    %mul3A_116 = arith.mulf %max3A_110, %max3A_110 : vector<10000x128xf32>
    %reduce_sum3A_117 = arith.constant dense<0.000000e+00> : vector<128xf32>
    %reduce_sum3A_118 = vector.multi_reduction <add>, %mul3A_116, %reduce_sum3A_117 [0] : vector<10000x128xf32> to vector<128xf32>
    %div3A_119 = arith.constant 1.000000e+04 : f32
    %div3A_120 = vector.broadcast %div3A_119 : f32 to vector<128xf32>
    %div3A_121 = arith.divf %reduce_sum3A_118, %div3A_120 : vector<128xf32>
    %mul3A_122 = arith.mulf %div3A_115, %div3A_115 : vector<128xf32>
    %sub3A_123 = arith.subf %div3A_121, %mul3A_122 : vector<128xf32>
    %broadcast_in_dim3A_124 = vector.shape_cast %div3A_115 : vector<128xf32> to vector<1x128xf32>
    %sub3A_125 = vector.broadcast %broadcast_in_dim3A_124 : vector<1x128xf32> to vector<10000x128xf32>
    %sub3A_126 = arith.subf %max3A_110, %sub3A_125 : vector<10000x128xf32>
    %add3A_127 = arith.constant 9.99999974E-6 : f32
    %add3A_128 = vector.broadcast %add3A_127 : f32 to vector<128xf32>
    %add3A_129 = arith.addf %sub3A_123, %add3A_128 : vector<128xf32>
    %rsqrt3A_130 = math.rsqrt %add3A_129 : vector<128xf32>
    %broadcast_in_dim3A_131 = vector.shape_cast %rsqrt3A_130 : vector<128xf32> to vector<1x128xf32>
    %mul3A_132 = vector.broadcast %broadcast_in_dim3A_131 : vector<1x128xf32> to vector<10000x128xf32>
    %mul3A_133 = arith.mulf %sub3A_126, %mul3A_132 : vector<10000x128xf32>
    %get3A_134 = arith.constant 0 : index
    %get3A_135 = arith.constant 0 : index
    %get3A_136 = vector.load %arg11[%get3A_134, %get3A_135] : memref<1x128xf32, #tpu.memory_space<vmem>>, vector<1x128xf32>
    %get3A_137 = vector.shape_cast %get3A_136 : vector<1x128xf32> to vector<128xf32>
    %broadcast_in_dim3A_138 = vector.shape_cast %get3A_137 : vector<128xf32> to vector<1x128xf32>
    %mul3A_139 = vector.broadcast %broadcast_in_dim3A_138 : vector<1x128xf32> to vector<10000x128xf32>
    %mul3A_140 = arith.mulf %mul3A_133, %mul3A_139 : vector<10000x128xf32>
    %get3A_141 = arith.constant 0 : index
    %get3A_142 = arith.constant 0 : index
    %get3A_143 = vector.load %arg12[%get3A_141, %get3A_142] : memref<1x128xf32, #tpu.memory_space<vmem>>, vector<1x128xf32>
    %get3A_144 = vector.shape_cast %get3A_143 : vector<1x128xf32> to vector<128xf32>
    %broadcast_in_dim3A_145 = vector.shape_cast %get3A_144 : vector<128xf32> to vector<1x128xf32>
    %add3A_146 = vector.broadcast %broadcast_in_dim3A_145 : vector<1x128xf32> to vector<10000x128xf32>
    %add3A_147 = arith.addf %mul3A_140, %add3A_146 : vector<10000x128xf32>
    %max3A_148 = arith.constant 0.000000e+00 : f32
    %max3A_149 = vector.broadcast %max3A_148 : f32 to vector<10000x128xf32>
    %max3A_150 = arith.maximumf %add3A_147, %max3A_149 : vector<10000x128xf32>
    %swap3A_151 = arith.constant 0 : index
    %swap3A_152 = arith.constant 0 : index
    %swap3A_153 = vector.load %arg13[%swap3A_151, %swap3A_152] : memref<10000x128xf32, #tpu.memory_space<vmem>>, vector<10000x128xf32>
    tpu.vector_store %arg13[%swap3A_151, %swap3A_152], %max3A_150 {strides = array<i32>} : memref<10000x128xf32, #tpu.memory_space<vmem>>, vector<10000x128xf32>,
    return
  }
}

module attributes {stable_mosaic.version = 14 : i64} {
  func.func @_pred_body(%arg0: memref<10000x128xf32, #tpu.memory_space<vmem>>, %arg1: memref<4x128xf32, #tpu.memory_space<vmem>>, %arg2: memref<5x128x16xf32, #tpu.memory_space<vmem>>, %arg3: memref<5x16xf32, #tpu.memory_space<vmem>>, %arg4: memref<1x16xf32, #tpu.memory_space<vmem>>) attributes {dimension_semantics = [], scalar_prefetch = 0 : i64, scratch_operands = 0 : i64, tpu.core_type = #tpu.core_type<tc>} {
    %get3A = arith.constant 0 : index
    %get3A_0 = arith.constant 0 : index
    %get3A_1 = vector.load %arg0[%get3A, %get3A_0] : memref<10000x128xf32, #tpu.memory_space<vmem>>, vector<10000x128xf32>
    %reduce_sum3A = arith.constant dense<0.000000e+00> : vector<128xf32>
    %reduce_sum3A_2 = vector.multi_reduction <add>, %get3A_1, %reduce_sum3A [0] : vector<10000x128xf32> to vector<128xf32>
    %reshape3A = vector.shape_cast %reduce_sum3A_2 : vector<128xf32> to vector<1x128xf32>
    %broadcast_in_dim3A = arith.constant 0.000000e+00 : f32
    %broadcast_in_dim3A_3 = vector.broadcast %broadcast_in_dim3A : f32 to vector<1x16xf32>
    %get3A_4 = arith.constant 0 : index
    %get3A_5 = arith.constant 0 : index
    %get3A_6 = vector.load %arg1[%get3A_4, %get3A_5] : memref<4x128xf32, #tpu.memory_space<vmem>>, vector<1x128xf32>
    %get3A_7 = vector.shape_cast %get3A_6 : vector<1x128xf32> to vector<128xf32>
    %reshape3A_8 = vector.shape_cast %get3A_7 : vector<128xf32> to vector<1x128xf32>
    %get3A_9 = arith.constant 0 : index
    %get3A_10 = arith.constant 0 : index
    %get3A_11 = arith.constant 0 : index
    %get3A_12 = vector.load %arg2[%get3A_9, %get3A_10, %get3A_11] : memref<5x128x16xf32, #tpu.memory_space<vmem>>, vector<1x128x16xf32>
    %get3A_13 = vector.shape_cast %get3A_12 : vector<1x128x16xf32> to vector<128x16xf32>
    %dot_general3A = arith.constant dense<0.000000e+00> : vector<1x16xf32>
    %dot_general3A_14 = tpu.matmul %reshape3A_8, %get3A_13, %dot_general3A {dimension_numbers = #tpu.dot_dimension_numbers<[1], [0], [0], [1], [0, 0, 1, 1], [], []>, transpose_lhs_hint = false} : vector<1x128xf32>, vector<128x16xf32>, vector<1x16xf32> -> vector<1x16xf32>
    %add3A = arith.addf %broadcast_in_dim3A_3, %dot_general3A_14 : vector<1x16xf32>
    %get3A_15 = arith.constant 0 : index
    %get3A_16 = arith.constant 0 : index
    %get3A_17 = vector.load %arg3[%get3A_15, %get3A_16] : memref<5x16xf32, #tpu.memory_space<vmem>>, vector<1x16xf32>
    %get3A_18 = vector.shape_cast %get3A_17 : vector<1x16xf32> to vector<16xf32>
    %broadcast_in_dim3A_19 = vector.shape_cast %get3A_18 : vector<16xf32> to vector<1x16xf32>
    %add3A_20 = arith.addf %add3A, %broadcast_in_dim3A_19 : vector<1x16xf32>
    %get3A_21 = arith.constant 1 : index
    %get3A_22 = arith.constant 0 : index
    %get3A_23 = vector.load %arg1[%get3A_21, %get3A_22] : memref<4x128xf32, #tpu.memory_space<vmem>>, vector<1x128xf32>
    %get3A_24 = vector.shape_cast %get3A_23 : vector<1x128xf32> to vector<128xf32>
    %reshape3A_25 = vector.shape_cast %get3A_24 : vector<128xf32> to vector<1x128xf32>
    %get3A_26 = arith.constant 1 : index
    %get3A_27 = arith.constant 0 : index
    %get3A_28 = arith.constant 0 : index
    %get3A_29 = vector.load %arg2[%get3A_26, %get3A_27, %get3A_28] : memref<5x128x16xf32, #tpu.memory_space<vmem>>, vector<1x128x16xf32>
    %get3A_30 = vector.shape_cast %get3A_29 : vector<1x128x16xf32> to vector<128x16xf32>
    %dot_general3A_31 = arith.constant dense<0.000000e+00> : vector<1x16xf32>
    %dot_general3A_32 = tpu.matmul %reshape3A_25, %get3A_30, %dot_general3A_31 {dimension_numbers = #tpu.dot_dimension_numbers<[1], [0], [0], [1], [0, 0, 1, 1], [], []>, transpose_lhs_hint = false} : vector<1x128xf32>, vector<128x16xf32>, vector<1x16xf32> -> vector<1x16xf32>
    %add3A_33 = arith.addf %add3A_20, %dot_general3A_32 : vector<1x16xf32>
    %get3A_34 = arith.constant 1 : index
    %get3A_35 = arith.constant 0 : index
    %get3A_36 = vector.load %arg3[%get3A_34, %get3A_35] : memref<5x16xf32, #tpu.memory_space<vmem>>, vector<1x16xf32>
    %get3A_37 = vector.shape_cast %get3A_36 : vector<1x16xf32> to vector<16xf32>
    %broadcast_in_dim3A_38 = vector.shape_cast %get3A_37 : vector<16xf32> to vector<1x16xf32>
    %add3A_39 = arith.addf %add3A_33, %broadcast_in_dim3A_38 : vector<1x16xf32>
    %get3A_40 = arith.constant 2 : index
    %get3A_41 = arith.constant 0 : index
    %get3A_42 = vector.load %arg1[%get3A_40, %get3A_41] : memref<4x128xf32, #tpu.memory_space<vmem>>, vector<1x128xf32>
    %get3A_43 = vector.shape_cast %get3A_42 : vector<1x128xf32> to vector<128xf32>
    %reshape3A_44 = vector.shape_cast %get3A_43 : vector<128xf32> to vector<1x128xf32>
    %get3A_45 = arith.constant 2 : index
    %get3A_46 = arith.constant 0 : index
    %get3A_47 = arith.constant 0 : index
    %get3A_48 = vector.load %arg2[%get3A_45, %get3A_46, %get3A_47] : memref<5x128x16xf32, #tpu.memory_space<vmem>>, vector<1x128x16xf32>
    %get3A_49 = vector.shape_cast %get3A_48 : vector<1x128x16xf32> to vector<128x16xf32>
    %dot_general3A_50 = arith.constant dense<0.000000e+00> : vector<1x16xf32>
    %dot_general3A_51 = tpu.matmul %reshape3A_44, %get3A_49, %dot_general3A_50 {dimension_numbers = #tpu.dot_dimension_numbers<[1], [0], [0], [1], [0, 0, 1, 1], [], []>, transpose_lhs_hint = false} : vector<1x128xf32>, vector<128x16xf32>, vector<1x16xf32> -> vector<1x16xf32>
    %add3A_52 = arith.addf %add3A_39, %dot_general3A_51 : vector<1x16xf32>
    %get3A_53 = arith.constant 2 : index
    %get3A_54 = arith.constant 0 : index
    %get3A_55 = vector.load %arg3[%get3A_53, %get3A_54] : memref<5x16xf32, #tpu.memory_space<vmem>>, vector<1x16xf32>
    %get3A_56 = vector.shape_cast %get3A_55 : vector<1x16xf32> to vector<16xf32>
    %broadcast_in_dim3A_57 = vector.shape_cast %get3A_56 : vector<16xf32> to vector<1x16xf32>
    %add3A_58 = arith.addf %add3A_52, %broadcast_in_dim3A_57 : vector<1x16xf32>
    %get3A_59 = arith.constant 3 : index
    %get3A_60 = arith.constant 0 : index
    %get3A_61 = vector.load %arg1[%get3A_59, %get3A_60] : memref<4x128xf32, #tpu.memory_space<vmem>>, vector<1x128xf32>
    %get3A_62 = vector.shape_cast %get3A_61 : vector<1x128xf32> to vector<128xf32>
    %reshape3A_63 = vector.shape_cast %get3A_62 : vector<128xf32> to vector<1x128xf32>
    %get3A_64 = arith.constant 3 : index
    %get3A_65 = arith.constant 0 : index
    %get3A_66 = arith.constant 0 : index
    %get3A_67 = vector.load %arg2[%get3A_64, %get3A_65, %get3A_66] : memref<5x128x16xf32, #tpu.memory_space<vmem>>, vector<1x128x16xf32>
    %get3A_68 = vector.shape_cast %get3A_67 : vector<1x128x16xf32> to vector<128x16xf32>
    %dot_general3A_69 = arith.constant dense<0.000000e+00> : vector<1x16xf32>
    %dot_general3A_70 = tpu.matmul %reshape3A_63, %get3A_68, %dot_general3A_69 {dimension_numbers = #tpu.dot_dimension_numbers<[1], [0], [0], [1], [0, 0, 1, 1], [], []>, transpose_lhs_hint = false} : vector<1x128xf32>, vector<128x16xf32>, vector<1x16xf32> -> vector<1x16xf32>
    %add3A_71 = arith.addf %add3A_58, %dot_general3A_70 : vector<1x16xf32>
    %get3A_72 = arith.constant 3 : index
    %get3A_73 = arith.constant 0 : index
    %get3A_74 = vector.load %arg3[%get3A_72, %get3A_73] : memref<5x16xf32, #tpu.memory_space<vmem>>, vector<1x16xf32>
    %get3A_75 = vector.shape_cast %get3A_74 : vector<1x16xf32> to vector<16xf32>
    %broadcast_in_dim3A_76 = vector.shape_cast %get3A_75 : vector<16xf32> to vector<1x16xf32>
    %add3A_77 = arith.addf %add3A_71, %broadcast_in_dim3A_76 : vector<1x16xf32>
    %get3A_78 = arith.constant 4 : index
    %get3A_79 = arith.constant 0 : index
    %get3A_80 = arith.constant 0 : index
    %get3A_81 = vector.load %arg2[%get3A_78, %get3A_79, %get3A_80] : memref<5x128x16xf32, #tpu.memory_space<vmem>>, vector<1x128x16xf32>
    %get3A_82 = vector.shape_cast %get3A_81 : vector<1x128x16xf32> to vector<128x16xf32>
    %dot_general3A_83 = arith.constant dense<0.000000e+00> : vector<1x16xf32>
    %dot_general3A_84 = tpu.matmul %reshape3A, %get3A_82, %dot_general3A_83 {dimension_numbers = #tpu.dot_dimension_numbers<[1], [0], [0], [1], [0, 0, 1, 1], [], []>, transpose_lhs_hint = false} : vector<1x128xf32>, vector<128x16xf32>, vector<1x16xf32> -> vector<1x16xf32>
    %add3A_85 = arith.addf %add3A_77, %dot_general3A_84 : vector<1x16xf32>
    %get3A_86 = arith.constant 4 : index
    %get3A_87 = arith.constant 0 : index
    %get3A_88 = vector.load %arg3[%get3A_86, %get3A_87] : memref<5x16xf32, #tpu.memory_space<vmem>>, vector<1x16xf32>
    %get3A_89 = vector.shape_cast %get3A_88 : vector<1x16xf32> to vector<16xf32>
    %broadcast_in_dim3A_90 = vector.shape_cast %get3A_89 : vector<16xf32> to vector<1x16xf32>
    %add3A_91 = arith.addf %add3A_85, %broadcast_in_dim3A_90 : vector<1x16xf32>
    %swap3A = arith.constant 0 : index
    %swap3A_92 = arith.constant 0 : index
    %swap3A_93 = vector.load %arg4[%swap3A, %swap3A_92] : memref<1x16xf32, #tpu.memory_space<vmem>>, vector<1x16xf32>
    tpu.vector_store %arg4[%swap3A, %swap3A_92], %add3A_91 {strides = array<i32>} : memref<1x16xf32, #tpu.memory_space<vmem>>, vector<1x16xf32>,
    return
  }
}

</mosaic_0001>

<sc_bundles>
// kernel: kernel.11.cloned.1.call-start
scs
__scs_entry_jumppad:
0x0: {  	(pc) =	sbr.rel $0x88, $3  }
0x1: {  	(tag) =	ssettag $0x0;
	lr =	simm.s32 $0x1  }
0x2: {  	[smem:$0x3F93] =	sst lr;
	_ =	strace $0xD0000000  }
0x3: {  	_ = 	snop  }
0x4: {  	_ = 	snop  }
0x5: {  	_ = 	snop  }
0x6: {  	_ = 	snop  }
0x7: {  	_ = 	snop  }
__scs_overlays_trampoline_lowered:
0x8: {  	[smem:$0x3FA2] =	sst s0  }
0x9: {  	[smem:$0x3FA3] =	sst s1  }
0xa: {  	[smem:$0x3FA4] =	sst s2  }
0xb: {  	[smem:$0x3FA5] =	sst s3  }
0xc: {  	[smem:$0x3FA6] =	sst s4  }
0xd: {  	[smem:$0x3FA7] =	sst s5  }
0xe: {  	[smem:$0x3FA8] =	sst s6  }
0xf: {  	[smem:$0x3FA9] =	sst s7  }
0x10: {  	[smem:$0x3FAA] =	sst s8  }
0x11: {  	[smem:$0x3FAB] =	sst s9;
	s0 =	simm.s32 @!p0 $0x0  }
0x12: {  	s1 =	sld [smem:$0x3F91];
	s0 =	simm.s32 @p0 $0x1  }
0x13: {  	[smem:$0x3FAC] =	sst s0;
	s0 =	simm.s32 @!p1 $0x0  }
0x14: {  	s2 =	sld [smem:$0x3F90];
	s0 =	simm.s32 @p1 $0x1  }
0x15: {  	[smem:$0x3FAD] =	sst s0;
	s0 =	simm.s32 @!p2 $0x0  }
0x16: {  	s3 =	sld [smem:$0x3FDB];
	s0 =	simm.s32 @p2 $0x1  }
0x17: {  	s4 =	simm.s32 $0x1BF5;
	[smem:$0x3FAF] =	sst s0  }
0x18: {  	s0 =	sld [smem:$0x3F92];
	_ =	swait.ge [sflag:s4], $0x0  }
0x19: {  	s7 =	sld [smem:$0x3F93]  }
0x1a: {  	s8 =	sadd.s32 $0xFFFFE003, lr  }
0x1b: {  	s9 =	sadd.s32 $0xFFFFFEF7, lr;
	s5 =	simm.s32 $0xFFFFFFFF;
	p2 =	slt.u32 s8, $0xFFFFF086  }
0x1c: {  	p1 =	slt.u32 s9, $0xF7A;
	s5 =	simm.s32 @!p2 $0x0  }
0x1d: {  	s5 =	simm.s32 @p1 $0x1;
	p0 =	seq.s32 s7, s2  }
0x1e: {  	s7 =	smul.u32 @!p0 $0xF7A, s2;
	p2 =	seq.s32 @!p0 s5, $0x0  }
0x1f: {  	s9 =	smul.u32 $0xF7A, s1;
	s8 =	simm.s32 @!p0 $0x1BF5;
	p2 =	por !p2, p0  }
0x20: {  	[sflag:s8] =	ssyncset.s32 @!p0 $0xFFFFF086;
	s6 =	sadd.s32 @!p0 s3, s7;
	s7 =	simm.s32 @!p0 $0x108  }
0x21: {  	s3 =	sadd.s32 s3, s9;
	s6 =	sadd.s32 @!p0 $0x88, s6;
	s7 =	simm.s32 @p2 $0x1082  }
0x22: {  	[simem:s7], [sflag:s8] =	dma.local @!p0 [hbm:s6], $0xF7A  }
0x23: {  	s9 =	sor.u32 $0xD0000000, s2;
	s6 =	simm.s32 $0x108;
	_ =	swait.ge @!p0 [sflag:s8], $0x0  }
0x24: {  	s3 =	sadd.s32 $0x88, s3;
	s6 =	simm.s32 @!p1 $0x1082;
	[sflag:s4] =	ssyncset.s32 $0xFFFFF086  }
0x25: {  	[simem:s6], [sflag:s4] =	dma.local [hbm:s3], $0xF7A  }
0x26: {  	[smem:$0x3F93] =	sst s1;
	(tag) =	ssettag s2;
	_ =	strace s9  }
0x27: {  	s1 =	sld [smem:$0x3FA3]  }
0x28: {  	s2 =	sld [smem:$0x3FA4]  }
0x29: {  	s4 =	sld [smem:$0x3FA6]  }
0x2a: {  	p0 =	seq.s32 s5, $0x0;
	s5 =	sld [smem:$0x3FA7]  }
0x2b: {  	s6 =	sld [smem:$0x3FA8]  }
0x2c: {  	s7 =	sld [smem:$0x3FA9]  }
0x2d: {  	s3 =	simm.s32 $0x108;
	s8 =	sld [smem:$0x3FAA]  }
0x2e: {  	s3 =	simm.s32 @!p0 $0x1082;
	s9 =	sld [smem:$0x3FAB]  }
0x2f: {  	lr =	sadd.s32 s0, s3;
	s0 =	sld [smem:$0x3FA2]  }
0x30: {  	s3 =	sld [smem:$0x3FA5]  }
0x31: {  	[smem:$0x3FAE] =	sst s10  }
0x32: {  	s10 =	sld [smem:$0x3FAC];
	_ =	sdelay $0x3  }
0x33: {  	p0 =	seq.s32 s10, $0x1;
	s10 =	sld [smem:$0x3FAE];
	_ =	sdelay $0x3  }
0x34: {  	[smem:$0x3FAE] =	sst s10  }
0x35: {  	s10 =	sld [smem:$0x3FAD];
	_ =	sdelay $0x3  }
0x36: {  	p1 =	seq.s32 s10, $0x1;
	s10 =	sld [smem:$0x3FAE];
	_ =	sdelay $0x3  }
0x37: {  	[smem:$0x3FAE] =	sst s10  }
0x38: {  	s10 =	sld [smem:$0x3FAF]  }
0x39: {  	_ = 	snop;
	(pc) =	sbr.ind lr, $3  }
0x3a: {  	_ = 	snop  }
0x3b: {  	_ = 	snop  }
0x3c: {  	p2 =	seq.s32 s10, $0x1;
	s10 =	sld [smem:$0x3FAE]  }
0x3d: {  	_ =	shalt  }
0x3e: {  	_ =	shalt  }
0x3f: {  	_ =	shalt  }
0x40: {  	_ =	shalt  }
0x41: {  	_ =	shalt  }
0x42: {  	_ =	shalt  }
0x43: {  	_ =	shalt  }
0x44: {  	_ =	shalt  }
0x45: {  	_ =	shalt  }
0x46: {  	_ =	shalt  }
0x47: {  	_ =	shalt  }
0x48: {  	_ =	shalt  }
0x49: {  	_ =	shalt  }
0x4a: {  	_ =	shalt  }
0x4b: {  	_ =	shalt  }
0x4c: {  	_ =	shalt  }
0x4d: {  	_ =	shalt  }
0x4e: {  	_ =	shalt  }
0x4f: {  	_ =	shalt  }
0x50: {  	_ =	shalt  }
0x51: {  	_ =	shalt  }
0x52: {  	_ =	shalt  }
0x53: {  	_ =	shalt  }
0x54: {  	_ =	shalt  }
0x55: {  	_ =	shalt  }
0x56: {  	_ =	shalt  }
0x57: {  	_ =	shalt  }
0x58: {  	_ =	shalt  }
0x59: {  	_ =	shalt  }
0x5a: {  	_ =	shalt  }
0x5b: {  	_ =	shalt  }
0x5c: {  	_ =	shalt  }
0x5d: {  	_ =	shalt  }
0x5e: {  	_ =	shalt  }
0x5f: {  	_ =	shalt  }
0x60: {  	_ =	shalt  }
0x61: {  	_ =	shalt  }
0x62: {  	_ =	shalt  }
0x63: {  	_ =	shalt  }
0x64: {  	_ =	shalt  }
0x65: {  	_ =	shalt  }
0x66: {  	_ =	shalt  }
0x67: {  	_ =	shalt  }
0x68: {  	_ =	shalt  }
0x69: {  	_ =	shalt  }
0x6a: {  	_ =	shalt  }
0x6b: {  	_ =	shalt  }
0x6c: {  	_ =	shalt  }
0x6d: {  	_ =	shalt  }
0x6e: {  	_ =	shalt  }
0x6f: {  	_ =	shalt  }
0x70: {  	_ =	shalt  }
0x71: {  	_ =	shalt  }
0x72: {  	_ =	shalt  }
0x73: {  	_ =	shalt  }
0x74: {  	_ =	shalt  }
0x75: {  	_ =	shalt  }
0x76: {  	_ =	shalt  }
0x77: {  	_ =	shalt  }
0x78: {  	_ =	shalt  }
0x79: {  	_ =	shalt  }
0x7a: {  	_ =	shalt  }
0x7b: {  	_ =	shalt  }
0x7c: {  	_ =	shalt  }
0x7d: {  	_ =	shalt  }
0x7e: {  	_ =	shalt  }
0x7f: {  	_ =	shalt  }
0x80: {  	_ =	shalt  }
0x81: {  	_ =	shalt  }
0x82: {  	_ =	shalt  }
0x83: {  	_ =	shalt  }
0x84: {  	_ =	shalt  }
0x85: {  	_ =	shalt  }
0x86: {  	_ =	shalt  }
0x87: {  	_ =	shalt  }
.Lfunc_end0:
.L_simem_size_0:
called_computation_lowered:
.L_overlay_start_0:
0x88: {  	s2 =	sld [smem:$0x3FD9]  }
0x89: {  	s3 =	sld [smem:$0x3FFE];
	_ =	sdelay $0x1  }
0x8a: {  	s1 =	srdreg.scid  }
0x8b: {  	s0 =	sand.u32 $0x1, s1  }
0x8c: {  	s17 =	sshll.u32 s0, $0xA;
	s2 =	sadd.s32 s3, s2  }
0x8d: {  	s2 =	sadd.s32 s2, s17  }
0x8e: {  	[smem:$0x3FBA] =	sst s2  }
0x8f: {  	_ = 	snop  }
0x90: {  	s2 =	sld [smem:$0x3FC9];
	(tm) =	ssettm $0x1  }
0x91: {  	s18 =	sld [smem:$0x3FFB];
	_ =	sdelay $0x3  }
0x92: {  	_ =	strace s18  }
0x93: {  	s3 =	sld [smem:$0x3FFC];
	_ =	sdelay $0x3  }
0x94: {  	_ =	strace s3  }
0x95: {  	s3 =	sld [smem:$0x3FFD];
	_ =	sdelay $0x3  }
0x96: {  	_ =	strace s3  }
0x97: {  	_ =	strace $0x8FFFFFFF  }
0x98: {  	s19 =	sld [smem:$0x3FDB];
	_ =	sdelay $0x1  }
0x99: {  	s4 =	simm.s32 $_scs_section_size  }
0x9a: {  	s5 =	simm.s32 $_size__tile_overlayer_lowered;
	s6 =	simm.s32 $_tile_overlayer_lowered  }
0x9b: {  	s22 =	simm.s32 $0x1BFF;
	s21 =	sshll.u32 s6, $0x1;
	s3 =	sadd.s32 s4, s19  }
0x9c: {  	s7 =	simm.s32 $0x0;
	s20 =	sshll.u32 s5, $0x1;
	s5 =	sadd.s32 s21, s3  }
0x9d: {  	[timem:s7], [sflag:s22] =	dma.local [hbm:s5], s20  }
0x9e: {  	_ =	swait.ge [sflag:s22], s20  }
0x9f: {  	s4 =	ssub.s32 $0x0, s20;
	[sflag:s22] =	ssyncset.done $0x0  }
0xa0: {  	[sflag:s22] =	ssyncadd.s32 s4;
	_ =	sdelay $0x1  }
0xa1: {  	s23 =	simm.s32 $0x1B8B  }
0xa2: {  	_ =	swait.ge [sflag:s23], $0x1  }
0xa3: {  	[sflag:s23] =	ssyncset.done $0x0  }
0xa4: {  	s25 =	simm.s32 $0x1B8E;
	s24 =	sld [smem:$0x3FFE];
	[sflag:s23] =	ssyncadd.s32 $0xFFFFFFFF  }
0xa5: {  	s26 =	simm.s32 $execute0_lowered;
	[smem:$0x3FD2] =	sst s25  }
0xa6: {  	s5 =	sshll.u32 s26, $0x1;
	_ =	strace $0x80000046;
	[dreg:$0x1] =	wrdreg $0xFFFFFFFF  }
0xa7: {  	s28 =	simm.s32 $_size_execute0_lowered;
	s3 =	sadd.s32 s3, s5;
	[dreg:$0x0] =	wrdreg $0x0  }
0xa8: {  	s5 =	sshll.u32 s28, $0x1;
	[dreg:$0x2] =	wrdreg s3  }
0xa9: {  	[dreg:$0x3] =	wrdreg s5  }
0xaa: {  	[dreg:$0x4] =	wrdreg $0xC0  }
0xab: {  	_ =	task [dreg:s7], $0x5FFFF  }
0xac: {  	[dreg:$0x1] =	wrdreg $0xFFFFFFFF  }
0xad: {  	[dreg:$0x0] =	wrdreg $0x60  }
0xae: {  	[dreg:$0x2] =	wrdreg s2  }
0xaf: {  	[dreg:$0x3] =	wrdreg s24  }
0xb0: {  	[dreg:$0x4] =	wrdreg $0x41000  }
0xb1: {  	[dreg:$0x5] =	wrdreg $0x9  }
0xb2: {  	_ =	task.clear_ibuf [dreg:s7], $0x6FFFF;
	_ =	strace $0x90000046  }
0xb3: {  	s29 =	simm.s32 $0x9;
	_ =	strace $0x80000048  }
0xb4: {  	_ =	swait.ge [sflag:s29], $0x1  }
0xb5: {  	[sflag:s29] =	ssyncadd.s32 $0xFFFFFFFF  }
0xb6: {  	_ =	strace $0x90000048  }
0xb7: {  	_ =	sfence  }
0xb8: {  	s30 =	sld [smem:$0x0];
	_ =	sdelay $0x2  }
0xb9: {  	s31 =	sshll.u32 s1, $0xD;
	s1 =	sshrl.u32 s1, $0x2  }
0xba: {  	s3 =	sand.u32 $0x4000, s31;
	s1 =	sadd.s32 s1, s30  }
0xbb: {  	s0 =	sor.u32 s3, s0;
	s1 =	sshll.u32 s1, $0x11  }
0xbc: {  	s0 =	sor.u32 s1, s0  }
0xbd: {  	s0 =	sadd.s32 $0x8F2B, s0  }
0xbe: {  	[sflag:s0] =	ssyncadd.remote.s32 $0x1  }
0xbf: {  	_ =	sfence.sel $0xFFFF  }
0xc0: {  	[dreg:$0x0] =	wrdreg $0xFFFFFFFF;
	(pc) =	sbr.abs _section_cstart, $3  }
0xc1: {  	[dreg:$0x1] =	wrdreg $0xFFFFFFFF  }
0xc2: {  	_ =	task.clear_ibuf [dreg:s7], $0x2FFFF;
	_ =	strace $0x9FFFFFFF  }
0xc3: {  	(tm) =	ssettm $0x7FFFFFFF  }
tec
execute0_lowered:
.L_overlay_start_1:
0x0: {  	(tag) =	ssettag $0x1  }
0x1: {  	s2 =	rddreg [dreg:$0x0]  }
0x2: {  	s5 =	rddreg [dreg:$0x1]  }
0x3: {  	s3 =	rddreg [dreg:$0x2]  }
0x4: {  	s0 =	rddreg [dreg:$0x3]  }
0x5: {  	s1 =	stileid.u32;
	s7 =	srdreg.scid;
	s4 =	simm.s32 $0x0  }
0x6: {  	s13 =	simm.s32 $0x80;
	s14 =	simm.s32 $0x100;
	s6 =	smul.u32 $0x9E0, s1  }
0x7: {  	s15 =	simm.s32 $0x1;
	s16 =	simm.s32 $0x0;
	s8 =	smul.u32 $0x14000, s1  }
0x8: {  	s7 =	sand.u32 $0x1, s7;
	[smem:$0x7FF] =	sst s4;
	s11 =	smul.u32 $0x50000, s1  }
0x9: {  	s31 =	sshll.u32 s1, $0x6;
	s9 =	smul.u32 $0x140000, s7;
	_ =	strace $0x80000047  }
0xa: {  	s26 =	ssub.s32 $0x2, s7;
	s30 =	smul.u32 $0x4F0, s7;
	s10 =	sadd.s32 s6, s5  }
0xb: {  	s25 =	sshrl.u32 s8, $0x3;
	s28 =	sshrl.u32 s26, $0x1;
	s29 =	sshrl.u32 s11, $0x2  }
0xc: {  	s8 =	sadd.s32 s8, s9;
	s6 =	sadd.s32 s25, s5;
	s9 =	ssub.s32 s26, s28  }
0xd: {  	s12 =	sadd.s32 s29, s3;
	s10 =	sadd.s32 s30, s10;
	s8 =	sshrl.u32 s8, $0x3  }
0xe: {  	s11 =	sshrl.u32 s12, $0x3;
	s12 =	simm.s32 $0x2;
	s8 =	sadd.s32 s8, s5  }
0xf: {  	s5 =	sadd.s32 $0x19C00, s6;
	s6 =	sor.u32 $0x1C02, s31;
	s7 =	sadd.s32 $0x41C00, s8  }
0x10: {  	s8 =	smax.u32 s9, $0x1;
	s9 =	sadd.s32 $0x6000, s10;
	s10 =	sadd.s32 $0xFE00, s10  }
.LBB2_1:
0x11: {  	[spmem:s11], [sflag:s6] =	dma.local [hbm:s5], $0x2800  }
0x12: {  	_ =	swait.ge [sflag:s12], $0x2800  }
0x13: {  	[sflag:s12] =	ssyncset.done $0x0  }
0x14: {  	[sflag:s12] =	ssyncadd.s32 $0xFFFFD800  }
0x15: {  	s17 =	sadd.s32 $0x0, s10;
	[bflag:$0x0] =	sbarrier.arrive $0xFFFF  }
0x16: {  	[tilespmem:s4], [sflag:$0x2] =	stream.linear.gather [hbm4b:s17+s4], $0x80, $0x38;
	[tilespmem:$0x18100] =	vst v63  }
0x17: {  	_ =	swait.ge [sflag:s12], $0x80  }
0x18: {  	[sflag:s12] =	ssyncset.done $0x0  }
0x19: {  	s31 =	sadd.s32 $0x0, s9;
	[sflag:s12] =	ssyncadd.s32 $0xFFFFFF80  }
0x1a: {  	[tilespmem:s13], [sflag:$0x2] =	stream.linear.gather [hbm4b:s31+s4], $0x80, $0x38;
	[tilespmem:$0x18100] =	vst v63  }
0x1b: {  	_ =	swait.ge [sflag:s12], $0x80  }
0x1c: {  	[sflag:s12] =	ssyncset.done $0x0  }
0x1d: {  	[sflag:s12] =	ssyncadd.s32 $0xFFFFFF80  }
0x1e: {  	[tilespmem:s14], [sflag:$0x1] =	stream.indirect.gather [hbm4b:s2+s13], $0x80, s4, s13, $0xb8;
	[tilespmem:$0x18100] =	vst v63  }
0x1f: {  	_ =	swait.ge [sflag:s15], $0x4000  }
0x20: {  	[sflag:s15] =	ssyncset.done $0x0  }
0x21: {  	[sflag:s15] =	ssyncadd.s32 $0xFFFFC000  }
0x22: {  	[spmem:s3] =	stream.indirect.scatter.add.f32 [tilespmem:s14], [sflag:$0x2], $0x80, s13, s13, $0xb8;
	[tilespmem:$0x18100] =	vst v63  }
0x23: {  	_ =	swait.ge [sflag:s12], $0x4000  }
0x24: {  	s18 =	simm.s32 $0x20;
	s17 =	simm.s32 $0x10;
	[sflag:s12] =	ssyncset.done $0x0  }
.LBB2_2:
0x25: {  	s19 =	sadd.s32 s17, s10  }
0x26: {  	[sflag:s12] =	ssyncadd.s32 $0xFFFFC000;
	s20 =	smov.u32 s18;
	s21 =	sadd.s32 $0x10, s18  }
0x27: {  	[tilespmem:s4], [sflag:$0x2] =	stream.linear.gather [hbm4b:s19+s4], $0x80, $0x38;
	[tilespmem:$0x18100] =	vst v63  }
0x28: {  	p0 =	sne.s32 s18, $0x4E0;
	_ =	swait.ge [sflag:s12], $0x80  }
0x29: {  	[sflag:s12] =	ssyncset.done $0x0  }
0x2a: {  	s18 =	sadd.s32 s17, s9;
	s17 =	smov.u32 s20;
	[sflag:s12] =	ssyncadd.s32 $0xFFFFFF80  }
0x2b: {  	[tilespmem:s13], [sflag:$0x2] =	stream.linear.gather [hbm4b:s18+s4], $0x80, $0x38;
	[tilespmem:$0x18100] =	vst v63  }
0x2c: {  	_ =	swait.ge [sflag:s12], $0x80  }
0x2d: {  	[sflag:s12] =	ssyncset.done $0x0  }
0x2e: {  	[sflag:s12] =	ssyncadd.s32 $0xFFFFFF80  }
0x2f: {  	[tilespmem:s14], [sflag:$0x1] =	stream.indirect.gather [hbm4b:s2+s13], $0x80, s4, s13, $0xb8;
	[tilespmem:$0x18100] =	vst v63  }
0x30: {  	_ =	swait.ge [sflag:s15], $0x4000  }
.Ltmp0:
0x31: {  	[sflag:s15] =	ssyncset.done $0x0;
	(pc) =	sbr.rel @p0 .LBB2_2-.Ltmp0, $4  }
0x32: {  	[sflag:s15] =	ssyncadd.s32 $0xFFFFC000  }
0x33: {  	[spmem:s3] =	stream.indirect.scatter.add.f32 [tilespmem:s14], [sflag:$0x2], $0x80, s13, s13, $0xb8;
	[tilespmem:$0x18100] =	vst v63  }
0x34: {  	_ =	swait.ge [sflag:s12], $0x4000  }
0x35: {  	s18 =	smov.u32 s21;
	[sflag:s12] =	ssyncset.done $0x0  }
0x36: {  	s18 =	sadd.s32 s17, s10;
	[sflag:s12] =	ssyncadd.s32 $0xFFFFC000  }
0x37: {  	[tilespmem:s4], [sflag:$0x2] =	stream.linear.gather [hbm4b:s18+s4], $0x80, $0x38;
	[tilespmem:$0x18100] =	vst v63  }
0x38: {  	_ =	swait.ge [sflag:s12], $0x80  }
0x39: {  	[sflag:s12] =	ssyncset.done $0x0  }
0x3a: {  	s31 =	sadd.s32 s17, s9;
	[sflag:s12] =	ssyncadd.s32 $0xFFFFFF80  }
0x3b: {  	[tilespmem:s13], [sflag:$0x2] =	stream.linear.gather [hbm4b:s31+s4], $0x80, $0x38;
	[tilespmem:$0x18100] =	vst v63  }
0x3c: {  	_ =	swait.ge [sflag:s12], $0x80  }
0x3d: {  	[sflag:s12] =	ssyncset.done $0x0  }
0x3e: {  	[sflag:s12] =	ssyncadd.s32 $0xFFFFFF80  }
0x3f: {  	[tilespmem:s14], [sflag:$0x1] =	stream.indirect.gather [hbm4b:s2+s13], $0x80, s4, s13, $0xb8;
	[tilespmem:$0x18100] =	vst v63  }
0x40: {  	_ =	swait.ge [sflag:s15], $0x4000  }
0x41: {  	[sflag:s15] =	ssyncset.done $0x0  }
0x42: {  	[sflag:s15] =	ssyncadd.s32 $0xFFFFC000  }
0x43: {  	[spmem:s3] =	stream.indirect.scatter.add.f32 [tilespmem:s14], [sflag:$0x2], $0x80, s13, s13, $0xb8;
	[tilespmem:$0x18100] =	vst v63  }
0x44: {  	_ =	swait.ge [sflag:s12], $0x4000  }
0x45: {  	s16 =	sadd.s32 $0x1, s16;
	[sflag:s12] =	ssyncset.done $0x0  }
0x46: {  	p0 =	sne.s32 s16, s8;
	[sflag:s12] =	ssyncadd.s32 $0xFFFFC000  }
.Ltmp1:
0x47: {  	[bflag:$0x0] =	sbarrier.arrive $0xFFFF;
	(pc) =	sbr.rel @p0 .LBB2_1-.Ltmp1, $4  }
0x48: {  	[hbm:s7], [sflag:s6] =	dma.local [spmem:s11], $0x2800  }
0x49: {  	_ =	swait.ge [sflag:s12], $0x2800  }
0x4a: {  	[sflag:s12] =	ssyncset.done $0x0  }
0x4b: {  	[sflag:s12] =	ssyncadd.s32 $0xFFFFD800  }
0x4c: {  	_ =	sfence.sel $0x180000  }
0x4d: {  	[bflag:$0x0] =	sbarrier.arrive $0xFFFF  }
0x4e: {  	p0 =	sne.s32 s1, $0x0;
	_ =	strace $0x90000047  }
0x4f: {  	s0 =	sadd.s32 @!p0 $0x100000, s0;
	[bflag:$0x2] =	sbarrier.arrive $0xFFFF  }
0x50: {  	[sflag:s0] =	ssyncadd.tile.s32 @!p0 $0x1;
	_ =	shalt  }
.Lfunc_end2:
_tile_overlayer_lowered:
.L_overlay_start_2:
0x51: {  	(tag) =	ssettag $0x2  }
0x52: {  	s0 =	rddreg [dreg:$0x0];
	s2 =	stileid.u32  }
0x53: {  	s1 =	rddreg [dreg:$0x1];
	p0 =	sne.s32 s2, $0x0  }
0x54: {  	s3 =	rddreg [dreg:$0x2];
	[bflag:$0x3] =	sbarrier.arrive $0xFFFF;
	s2 =	simm.s32 @!p0 $0x1C02  }
0x55: {  	[timem:s3], [sflag:s2] =	dma.local @!p0 [hbm:s0], s1  }
0x56: {  	s0 =	simm.s32 @!p0 $0x2  }
0x57: {  	_ =	swait.ge @!p0 [sflag:s0], s1  }
0x58: {  	s1 =	ssub.s32 @!p0 $0x0, s1;
	[sflag:s0] =	ssyncset.done @!p0 $0x0  }
0x59: {  	[sflag:s0] =	ssyncadd.s32 @!p0 s1  }
0x5a: {  	[bflag:$0x3] =	sbarrier.arrive $0xFFFF  }
0x5b: {  	_ =	shalt  }

// kernel: kernel.14.cloned.1.call-start
scs
__scs_entry_jumppad:
0x0: {  	(pc) =	sbr.rel $0x88, $3  }
0x1: {  	(tag) =	ssettag $0x0;
	lr =	simm.s32 $0x1  }
0x2: {  	[smem:$0x3F93] =	sst lr;
	_ =	strace $0xD0000000  }
0x3: {  	_ = 	snop  }
0x4: {  	_ = 	snop  }
0x5: {  	_ = 	snop  }
0x6: {  	_ = 	snop  }
0x7: {  	_ = 	snop  }
__scs_overlays_trampoline_lowered:
0x8: {  	[smem:$0x3FA2] =	sst s0  }
0x9: {  	[smem:$0x3FA3] =	sst s1  }
0xa: {  	[smem:$0x3FA4] =	sst s2  }
0xb: {  	[smem:$0x3FA5] =	sst s3  }
0xc: {  	[smem:$0x3FA6] =	sst s4  }
0xd: {  	[smem:$0x3FA7] =	sst s5  }
0xe: {  	[smem:$0x3FA8] =	sst s6  }
0xf: {  	[smem:$0x3FA9] =	sst s7  }
0x10: {  	[smem:$0x3FAA] =	sst s8  }
0x11: {  	[smem:$0x3FAB] =	sst s9;
	s0 =	simm.s32 @!p0 $0x0  }
0x12: {  	s1 =	sld [smem:$0x3F91];
	s0 =	simm.s32 @p0 $0x1  }
0x13: {  	[smem:$0x3FAC] =	sst s0;
	s0 =	simm.s32 @!p1 $0x0  }
0x14: {  	s2 =	sld [smem:$0x3F90];
	s0 =	simm.s32 @p1 $0x1  }
0x15: {  	[smem:$0x3FAD] =	sst s0;
	s0 =	simm.s32 @!p2 $0x0  }
0x16: {  	s3 =	sld [smem:$0x3FDB];
	s0 =	simm.s32 @p2 $0x1  }
0x17: {  	s4 =	simm.s32 $0x1BF5;
	[smem:$0x3FAF] =	sst s0  }
0x18: {  	s0 =	sld [smem:$0x3F92];
	_ =	swait.ge [sflag:s4], $0x0  }
0x19: {  	s7 =	sld [smem:$0x3F93]  }
0x1a: {  	s8 =	sadd.s32 $0xFFFFE003, lr  }
0x1b: {  	s9 =	sadd.s32 $0xFFFFFEF7, lr;
	s5 =	simm.s32 $0xFFFFFFFF;
	p2 =	slt.u32 s8, $0xFFFFF086  }
0x1c: {  	p1 =	slt.u32 s9, $0xF7A;
	s5 =	simm.s32 @!p2 $0x0  }
0x1d: {  	s5 =	simm.s32 @p1 $0x1;
	p0 =	seq.s32 s7, s2  }
0x1e: {  	s7 =	smul.u32 @!p0 $0xF7A, s2;
	p2 =	seq.s32 @!p0 s5, $0x0  }
0x1f: {  	s9 =	smul.u32 $0xF7A, s1;
	s8 =	simm.s32 @!p0 $0x1BF5;
	p2 =	por !p2, p0  }
0x20: {  	[sflag:s8] =	ssyncset.s32 @!p0 $0xFFFFF086;
	s6 =	sadd.s32 @!p0 s3, s7;
	s7 =	simm.s32 @!p0 $0x108  }
0x21: {  	s3 =	sadd.s32 s3, s9;
	s6 =	sadd.s32 @!p0 $0x88, s6;
	s7 =	simm.s32 @p2 $0x1082  }
0x22: {  	[simem:s7], [sflag:s8] =	dma.local @!p0 [hbm:s6], $0xF7A  }
0x23: {  	s9 =	sor.u32 $0xD0000000, s2;
	s6 =	simm.s32 $0x108;
	_ =	swait.ge @!p0 [sflag:s8], $0x0  }
0x24: {  	s3 =	sadd.s32 $0x88, s3;
	s6 =	simm.s32 @!p1 $0x1082;
	[sflag:s4] =	ssyncset.s32 $0xFFFFF086  }
0x25: {  	[simem:s6], [sflag:s4] =	dma.local [hbm:s3], $0xF7A  }
0x26: {  	[smem:$0x3F93] =	sst s1;
	(tag) =	ssettag s2;
	_ =	strace s9  }
0x27: {  	s1 =	sld [smem:$0x3FA3]  }
0x28: {  	s2 =	sld [smem:$0x3FA4]  }
0x29: {  	s4 =	sld [smem:$0x3FA6]  }
0x2a: {  	p0 =	seq.s32 s5, $0x0;
	s5 =	sld [smem:$0x3FA7]  }
0x2b: {  	s6 =	sld [smem:$0x3FA8]  }
0x2c: {  	s7 =	sld [smem:$0x3FA9]  }
0x2d: {  	s3 =	simm.s32 $0x108;
	s8 =	sld [smem:$0x3FAA]  }
0x2e: {  	s3 =	simm.s32 @!p0 $0x1082;
	s9 =	sld [smem:$0x3FAB]  }
0x2f: {  	lr =	sadd.s32 s0, s3;
	s0 =	sld [smem:$0x3FA2]  }
0x30: {  	s3 =	sld [smem:$0x3FA5]  }
0x31: {  	[smem:$0x3FAE] =	sst s10  }
0x32: {  	s10 =	sld [smem:$0x3FAC];
	_ =	sdelay $0x3  }
0x33: {  	p0 =	seq.s32 s10, $0x1;
	s10 =	sld [smem:$0x3FAE];
	_ =	sdelay $0x3  }
0x34: {  	[smem:$0x3FAE] =	sst s10  }
0x35: {  	s10 =	sld [smem:$0x3FAD];
	_ =	sdelay $0x3  }
0x36: {  	p1 =	seq.s32 s10, $0x1;
	s10 =	sld [smem:$0x3FAE];
	_ =	sdelay $0x3  }
0x37: {  	[smem:$0x3FAE] =	sst s10  }
0x38: {  	s10 =	sld [smem:$0x3FAF]  }
0x39: {  	_ = 	snop;
	(pc) =	sbr.ind lr, $3  }
0x3a: {  	_ = 	snop  }
0x3b: {  	_ = 	snop  }
0x3c: {  	p2 =	seq.s32 s10, $0x1;
	s10 =	sld [smem:$0x3FAE]  }
0x3d: {  	_ =	shalt  }
0x3e: {  	_ =	shalt  }
0x3f: {  	_ =	shalt  }
0x40: {  	_ =	shalt  }
0x41: {  	_ =	shalt  }
0x42: {  	_ =	shalt  }
0x43: {  	_ =	shalt  }
0x44: {  	_ =	shalt  }
0x45: {  	_ =	shalt  }
0x46: {  	_ =	shalt  }
0x47: {  	_ =	shalt  }
0x48: {  	_ =	shalt  }
0x49: {  	_ =	shalt  }
0x4a: {  	_ =	shalt  }
0x4b: {  	_ =	shalt  }
0x4c: {  	_ =	shalt  }
0x4d: {  	_ =	shalt  }
0x4e: {  	_ =	shalt  }
0x4f: {  	_ =	shalt  }
0x50: {  	_ =	shalt  }
0x51: {  	_ =	shalt  }
0x52: {  	_ =	shalt  }
0x53: {  	_ =	shalt  }
0x54: {  	_ =	shalt  }
0x55: {  	_ =	shalt  }
0x56: {  	_ =	shalt  }
0x57: {  	_ =	shalt  }
0x58: {  	_ =	shalt  }
0x59: {  	_ =	shalt  }
0x5a: {  	_ =	shalt  }
0x5b: {  	_ =	shalt  }
0x5c: {  	_ =	shalt  }
0x5d: {  	_ =	shalt  }
0x5e: {  	_ =	shalt  }
0x5f: {  	_ =	shalt  }
0x60: {  	_ =	shalt  }
0x61: {  	_ =	shalt  }
0x62: {  	_ =	shalt  }
0x63: {  	_ =	shalt  }
0x64: {  	_ =	shalt  }
0x65: {  	_ =	shalt  }
0x66: {  	_ =	shalt  }
0x67: {  	_ =	shalt  }
0x68: {  	_ =	shalt  }
0x69: {  	_ =	shalt  }
0x6a: {  	_ =	shalt  }
0x6b: {  	_ =	shalt  }
0x6c: {  	_ =	shalt  }
0x6d: {  	_ =	shalt  }
0x6e: {  	_ =	shalt  }
0x6f: {  	_ =	shalt  }
0x70: {  	_ =	shalt  }
0x71: {  	_ =	shalt  }
0x72: {  	_ =	shalt  }
0x73: {  	_ =	shalt  }
0x74: {  	_ =	shalt  }
0x75: {  	_ =	shalt  }
0x76: {  	_ =	shalt  }
0x77: {  	_ =	shalt  }
0x78: {  	_ =	shalt  }
0x79: {  	_ =	shalt  }
0x7a: {  	_ =	shalt  }
0x7b: {  	_ =	shalt  }
0x7c: {  	_ =	shalt  }
0x7d: {  	_ =	shalt  }
0x7e: {  	_ =	shalt  }
0x7f: {  	_ =	shalt  }
0x80: {  	_ =	shalt  }
0x81: {  	_ =	shalt  }
0x82: {  	_ =	shalt  }
0x83: {  	_ =	shalt  }
0x84: {  	_ =	shalt  }
0x85: {  	_ =	shalt  }
0x86: {  	_ =	shalt  }
0x87: {  	_ =	shalt  }
.Lfunc_end0:
.L_simem_size_0:
called_computation.1_lowered:
.L_overlay_start_0:
0x88: {  	s2 =	sld [smem:$0x3FD9]  }
0x89: {  	s3 =	sld [smem:$0x3FFE];
	_ =	sdelay $0x1  }
0x8a: {  	s1 =	srdreg.scid  }
0x8b: {  	s0 =	sand.u32 $0x1, s1  }
0x8c: {  	s16 =	sshll.u32 s0, $0xA;
	s2 =	sadd.s32 s3, s2  }
0x8d: {  	s2 =	sadd.s32 s2, s16  }
0x8e: {  	[smem:$0x3FBA] =	sst s2  }
0x8f: {  	_ = 	snop  }
0x90: {  	(tm) =	ssettm $0x1  }
0x91: {  	s17 =	sld [smem:$0x3FFB];
	_ =	sdelay $0x3  }
0x92: {  	_ =	strace s17  }
0x93: {  	s2 =	sld [smem:$0x3FFC];
	_ =	sdelay $0x3  }
0x94: {  	_ =	strace s2  }
0x95: {  	s2 =	sld [smem:$0x3FFD];
	_ =	sdelay $0x3  }
0x96: {  	_ =	strace s2  }
0x97: {  	_ =	strace $0x8FFFFFFF  }
0x98: {  	s18 =	sld [smem:$0x3FDB];
	_ =	sdelay $0x1  }
0x99: {  	s19 =	simm.s32 $_scs_section_size  }
0x9a: {  	s4 =	simm.s32 $_size__tile_overlayer_lowered;
	s5 =	simm.s32 $_tile_overlayer_lowered  }
0x9b: {  	s22 =	simm.s32 $0x1BFF;
	s21 =	sshll.u32 s5, $0x1;
	s2 =	sadd.s32 s19, s18  }
0x9c: {  	s6 =	simm.s32 $0x0;
	s20 =	sshll.u32 s4, $0x1;
	s4 =	sadd.s32 s21, s2  }
0x9d: {  	[timem:s6], [sflag:s22] =	dma.local [hbm:s4], s20  }
0x9e: {  	_ =	swait.ge [sflag:s22], s20  }
0x9f: {  	s3 =	ssub.s32 $0x0, s20;
	[sflag:s22] =	ssyncset.done $0x0  }
0xa0: {  	[sflag:s22] =	ssyncadd.s32 s3;
	_ =	sdelay $0x1  }
0xa1: {  	s23 =	simm.s32 $0x1B8B  }
0xa2: {  	_ =	swait.ge [sflag:s23], $0x1  }
0xa3: {  	[sflag:s23] =	ssyncset.done $0x0  }
0xa4: {  	s25 =	simm.s32 $0x1B8E;
	s24 =	sld [smem:$0x3FFE];
	[sflag:s23] =	ssyncadd.s32 $0xFFFFFFFF  }
0xa5: {  	s26 =	simm.s32 $execute0_lowered;
	[smem:$0x3FD2] =	sst s25  }
0xa6: {  	s4 =	sshll.u32 s26, $0x1;
	_ =	strace $0x80000049;
	[dreg:$0x1] =	wrdreg $0xFFFFFFFF  }
0xa7: {  	s28 =	simm.s32 $_size_execute0_lowered;
	s2 =	sadd.s32 s2, s4;
	[dreg:$0x0] =	wrdreg $0x0  }
0xa8: {  	s4 =	sshll.u32 s28, $0x1;
	[dreg:$0x2] =	wrdreg s2  }
0xa9: {  	[dreg:$0x3] =	wrdreg s4  }
0xaa: {  	[dreg:$0x4] =	wrdreg $0xC0  }
0xab: {  	_ =	task [dreg:s6], $0x5FFFF  }
0xac: {  	[dreg:$0x1] =	wrdreg $0xFFFFFFFF  }
0xad: {  	[dreg:$0x0] =	wrdreg $0x60  }
0xae: {  	[dreg:$0x2] =	wrdreg s24  }
0xaf: {  	[dreg:$0x3] =	wrdreg $0x41000  }
0xb0: {  	[dreg:$0x4] =	wrdreg $0x9  }
0xb1: {  	_ =	task.clear_ibuf [dreg:s6], $0x5FFFF;
	_ =	strace $0x90000049  }
0xb2: {  	s29 =	simm.s32 $0x9;
	_ =	strace $0x8000004B  }
0xb3: {  	_ =	swait.ge [sflag:s29], $0x1  }
0xb4: {  	[sflag:s29] =	ssyncadd.s32 $0xFFFFFFFF  }
0xb5: {  	_ =	strace $0x9000004B  }
0xb6: {  	_ =	sfence  }
0xb7: {  	s30 =	sld [smem:$0x0];
	_ =	sdelay $0x2  }
0xb8: {  	s31 =	sshll.u32 s1, $0xD;
	s1 =	sshrl.u32 s1, $0x2  }
0xb9: {  	s3 =	sand.u32 $0x4000, s31;
	s1 =	sadd.s32 s1, s30  }
0xba: {  	s0 =	sor.u32 s3, s0;
	s1 =	sshll.u32 s1, $0x11  }
0xbb: {  	s0 =	sor.u32 s1, s0  }
0xbc: {  	s0 =	sadd.s32 $0x8F2B, s0  }
0xbd: {  	[sflag:s0] =	ssyncadd.remote.s32 $0x1  }
0xbe: {  	_ =	sfence.sel $0xFFFF  }
0xbf: {  	[dreg:$0x0] =	wrdreg $0xFFFFFFFF;
	(pc) =	sbr.abs _section_cstart, $3  }
0xc0: {  	[dreg:$0x1] =	wrdreg $0xFFFFFFFF  }
0xc1: {  	_ =	task.clear_ibuf [dreg:s6], $0x2FFFF;
	_ =	strace $0x9FFFFFFF  }
0xc2: {  	(tm) =	ssettm $0x7FFFFFFF  }
0xc3: {  	_ =	shalt  }
tec
execute0_lowered:
.L_overlay_start_1:
0x0: {  	(tag) =	ssettag $0x1  }
0x1: {  	s5 =	rddreg [dreg:$0x0]  }
0x2: {  	s2 =	rddreg [dreg:$0x1]  }
0x3: {  	s0 =	rddreg [dreg:$0x2];
	s1 =	stileid.u32  }
0x4: {  	s4 =	srdreg.scid;
	s3 =	simm.s32 $0x0;
	s12 =	simm.s32 $0x2  }
0x5: {  	s13 =	simm.s32 $0x80;
	s14 =	simm.s32 $0x100;
	s6 =	smul.u32 $0x9E0, s1  }
0x6: {  	s15 =	simm.s32 $0x1;
	s16 =	simm.s32 $0x0;
	s7 =	smul.u32 $0x14000, s1  }
0x7: {  	s8 =	sand.u32 $0x1, s4;
	[smem:$0x7FF] =	sst s3;
	s11 =	smul.u32 $0x50000, s1  }
0x8: {  	s4 =	sadd.s32 $0x41C00, s5;
	s31 =	sshll.u32 s1, $0x6;
	s9 =	smul.u32 $0x140000, s8  }
0x9: {  	_ =	strace $0x8000004A;
	s28 =	ssub.s32 $0x2, s8;
	s8 =	smul.u32 $0x4F0, s8  }
0xa: {  	s10 =	sadd.s32 s6, s5;
	s26 =	sshrl.u32 s7, $0x3;
	s29 =	sshrl.u32 s28, $0x1  }
0xb: {  	s30 =	sshrl.u32 s11, $0x2;
	s7 =	sadd.s32 s7, s9;
	s6 =	sadd.s32 s26, s5  }
0xc: {  	s9 =	ssub.s32 s28, s29;
	s11 =	sadd.s32 s30, s2;
	s10 =	sadd.s32 s8, s10  }
0xd: {  	s7 =	sshrl.u32 s7, $0x3;
	s8 =	smax.u32 s9, $0x1;
	s9 =	sadd.s32 $0x6000, s10  }
0xe: {  	s10 =	sadd.s32 $0xFE00, s10;
	s11 =	sshrl.u32 s11, $0x3;
	s7 =	sadd.s32 s7, s5  }
0xf: {  	s5 =	sadd.s32 $0x19C00, s6;
	s6 =	sor.u32 $0x1C02, s31;
	s7 =	sadd.s32 $0x68E00, s7  }
.LBB2_1:
0x10: {  	[spmem:s11], [sflag:s6] =	dma.local [hbm:s5], $0x2800  }
0x11: {  	_ =	swait.ge [sflag:s12], $0x2800  }
0x12: {  	[sflag:s12] =	ssyncset.done $0x0  }
0x13: {  	[sflag:s12] =	ssyncadd.s32 $0xFFFFD800  }
0x14: {  	s17 =	sadd.s32 $0x0, s10;
	[bflag:$0x0] =	sbarrier.arrive $0xFFFF  }
0x15: {  	[tilespmem:s3], [sflag:$0x2] =	stream.linear.gather [hbm4b:s17+s3], $0x80, $0x38;
	[tilespmem:$0x18100] =	vst v63  }
0x16: {  	_ =	swait.ge [sflag:s12], $0x80  }
0x17: {  	[sflag:s12] =	ssyncset.done $0x0  }
0x18: {  	s31 =	sadd.s32 $0x0, s9;
	[sflag:s12] =	ssyncadd.s32 $0xFFFFFF80  }
0x19: {  	[tilespmem:s13], [sflag:$0x2] =	stream.linear.gather [hbm4b:s31+s3], $0x80, $0x38;
	[tilespmem:$0x18100] =	vst v63  }
0x1a: {  	_ =	swait.ge [sflag:s12], $0x80  }
0x1b: {  	[sflag:s12] =	ssyncset.done $0x0  }
0x1c: {  	[sflag:s12] =	ssyncadd.s32 $0xFFFFFF80  }
0x1d: {  	[tilespmem:s14], [sflag:$0x1] =	stream.indirect.gather [hbm4b:s4+s13], $0x80, s3, s13, $0xb8;
	[tilespmem:$0x18100] =	vst v63  }
0x1e: {  	_ =	swait.ge [sflag:s15], $0x4000  }
0x1f: {  	[sflag:s15] =	ssyncset.done $0x0  }
0x20: {  	[sflag:s15] =	ssyncadd.s32 $0xFFFFC000  }
0x21: {  	[spmem:s2] =	stream.indirect.scatter.add.f32 [tilespmem:s14], [sflag:$0x2], $0x80, s13, s13, $0xb8;
	[tilespmem:$0x18100] =	vst v63  }
0x22: {  	_ =	swait.ge [sflag:s12], $0x4000  }
0x23: {  	s18 =	simm.s32 $0x20;
	s17 =	simm.s32 $0x10;
	[sflag:s12] =	ssyncset.done $0x0  }
.LBB2_2:
0x24: {  	s19 =	sadd.s32 s17, s10  }
0x25: {  	[sflag:s12] =	ssyncadd.s32 $0xFFFFC000;
	s20 =	smov.u32 s18;
	s21 =	sadd.s32 $0x10, s18  }
0x26: {  	[tilespmem:s3], [sflag:$0x2] =	stream.linear.gather [hbm4b:s19+s3], $0x80, $0x38;
	[tilespmem:$0x18100] =	vst v63  }
0x27: {  	p0 =	sne.s32 s18, $0x4E0;
	_ =	swait.ge [sflag:s12], $0x80  }
0x28: {  	[sflag:s12] =	ssyncset.done $0x0  }
0x29: {  	s18 =	sadd.s32 s17, s9;
	s17 =	smov.u32 s20;
	[sflag:s12] =	ssyncadd.s32 $0xFFFFFF80  }
0x2a: {  	[tilespmem:s13], [sflag:$0x2] =	stream.linear.gather [hbm4b:s18+s3], $0x80, $0x38;
	[tilespmem:$0x18100] =	vst v63  }
0x2b: {  	_ =	swait.ge [sflag:s12], $0x80  }
0x2c: {  	[sflag:s12] =	ssyncset.done $0x0  }
0x2d: {  	[sflag:s12] =	ssyncadd.s32 $0xFFFFFF80  }
0x2e: {  	[tilespmem:s14], [sflag:$0x1] =	stream.indirect.gather [hbm4b:s4+s13], $0x80, s3, s13, $0xb8;
	[tilespmem:$0x18100] =	vst v63  }
0x2f: {  	_ =	swait.ge [sflag:s15], $0x4000  }
.Ltmp0:
0x30: {  	[sflag:s15] =	ssyncset.done $0x0;
	(pc) =	sbr.rel @p0 .LBB2_2-.Ltmp0, $4  }
0x31: {  	[sflag:s15] =	ssyncadd.s32 $0xFFFFC000  }
0x32: {  	[spmem:s2] =	stream.indirect.scatter.add.f32 [tilespmem:s14], [sflag:$0x2], $0x80, s13, s13, $0xb8;
	[tilespmem:$0x18100] =	vst v63  }
0x33: {  	_ =	swait.ge [sflag:s12], $0x4000  }
0x34: {  	s18 =	smov.u32 s21;
	[sflag:s12] =	ssyncset.done $0x0  }
0x35: {  	s18 =	sadd.s32 s17, s10;
	[sflag:s12] =	ssyncadd.s32 $0xFFFFC000  }
0x36: {  	[tilespmem:s3], [sflag:$0x2] =	stream.linear.gather [hbm4b:s18+s3], $0x80, $0x38;
	[tilespmem:$0x18100] =	vst v63  }
0x37: {  	_ =	swait.ge [sflag:s12], $0x80  }
0x38: {  	[sflag:s12] =	ssyncset.done $0x0  }
0x39: {  	s31 =	sadd.s32 s17, s9;
	[sflag:s12] =	ssyncadd.s32 $0xFFFFFF80  }
0x3a: {  	[tilespmem:s13], [sflag:$0x2] =	stream.linear.gather [hbm4b:s31+s3], $0x80, $0x38;
	[tilespmem:$0x18100] =	vst v63  }
0x3b: {  	_ =	swait.ge [sflag:s12], $0x80  }
0x3c: {  	[sflag:s12] =	ssyncset.done $0x0  }
0x3d: {  	[sflag:s12] =	ssyncadd.s32 $0xFFFFFF80  }
0x3e: {  	[tilespmem:s14], [sflag:$0x1] =	stream.indirect.gather [hbm4b:s4+s13], $0x80, s3, s13, $0xb8;
	[tilespmem:$0x18100] =	vst v63  }
0x3f: {  	_ =	swait.ge [sflag:s15], $0x4000  }
0x40: {  	[sflag:s15] =	ssyncset.done $0x0  }
0x41: {  	[sflag:s15] =	ssyncadd.s32 $0xFFFFC000  }
0x42: {  	[spmem:s2] =	stream.indirect.scatter.add.f32 [tilespmem:s14], [sflag:$0x2], $0x80, s13, s13, $0xb8;
	[tilespmem:$0x18100] =	vst v63  }
0x43: {  	_ =	swait.ge [sflag:s12], $0x4000  }
0x44: {  	s16 =	sadd.s32 $0x1, s16;
	[sflag:s12] =	ssyncset.done $0x0  }
0x45: {  	p0 =	sne.s32 s16, s8;
	[sflag:s12] =	ssyncadd.s32 $0xFFFFC000  }
.Ltmp1:
0x46: {  	[bflag:$0x0] =	sbarrier.arrive $0xFFFF;
	(pc) =	sbr.rel @p0 .LBB2_1-.Ltmp1, $4  }
0x47: {  	[hbm:s7], [sflag:s6] =	dma.local [spmem:s11], $0x2800  }
0x48: {  	_ =	swait.ge [sflag:s12], $0x2800  }
0x49: {  	[sflag:s12] =	ssyncset.done $0x0  }
0x4a: {  	[sflag:s12] =	ssyncadd.s32 $0xFFFFD800  }
0x4b: {  	_ =	sfence.sel $0x180000  }
0x4c: {  	[bflag:$0x0] =	sbarrier.arrive $0xFFFF  }
0x4d: {  	p0 =	sne.s32 s1, $0x0;
	_ =	strace $0x9000004A  }
0x4e: {  	s0 =	sadd.s32 @!p0 $0x100000, s0;
	[bflag:$0x2] =	sbarrier.arrive $0xFFFF  }
0x4f: {  	[sflag:s0] =	ssyncadd.tile.s32 @!p0 $0x1;
	_ =	shalt  }
.Lfunc_end2:
_tile_overlayer_lowered:
.L_overlay_start_2:
0x50: {  	(tag) =	ssettag $0x2  }
0x51: {  	s0 =	rddreg [dreg:$0x0];
	s2 =	stileid.u32  }
0x52: {  	s1 =	rddreg [dreg:$0x1];
	p0 =	sne.s32 s2, $0x0  }
0x53: {  	s3 =	rddreg [dreg:$0x2];
	[bflag:$0x3] =	sbarrier.arrive $0xFFFF;
	s2 =	simm.s32 @!p0 $0x1C02  }
0x54: {  	[timem:s3], [sflag:s2] =	dma.local @!p0 [hbm:s0], s1  }
0x55: {  	s0 =	simm.s32 @!p0 $0x2  }
0x56: {  	_ =	swait.ge @!p0 [sflag:s0], s1  }
0x57: {  	s1 =	ssub.s32 @!p0 $0x0, s1;
	[sflag:s0] =	ssyncset.done @!p0 $0x0  }
0x58: {  	[sflag:s0] =	ssyncadd.s32 @!p0 s1  }
0x59: {  	[bflag:$0x3] =	sbarrier.arrive $0xFFFF  }
0x5a: {  	_ =	shalt  }

// kernel: kernel.17.cloned.1.call-start
scs
__scs_entry_jumppad:
0x0: {  	(pc) =	sbr.rel $0x88, $3  }
0x1: {  	(tag) =	ssettag $0x0;
	lr =	simm.s32 $0x1  }
0x2: {  	[smem:$0x3F93] =	sst lr;
	_ =	strace $0xD0000000  }
0x3: {  	_ = 	snop  }
0x4: {  	_ = 	snop  }
0x5: {  	_ = 	snop  }
0x6: {  	_ = 	snop  }
0x7: {  	_ = 	snop  }
__scs_overlays_trampoline_lowered:
0x8: {  	[smem:$0x3FA2] =	sst s0  }
0x9: {  	[smem:$0x3FA3] =	sst s1  }
0xa: {  	[smem:$0x3FA4] =	sst s2  }
0xb: {  	[smem:$0x3FA5] =	sst s3  }
0xc: {  	[smem:$0x3FA6] =	sst s4  }
0xd: {  	[smem:$0x3FA7] =	sst s5  }
0xe: {  	[smem:$0x3FA8] =	sst s6  }
0xf: {  	[smem:$0x3FA9] =	sst s7  }
0x10: {  	[smem:$0x3FAA] =	sst s8  }
0x11: {  	[smem:$0x3FAB] =	sst s9;
	s0 =	simm.s32 @!p0 $0x0  }
0x12: {  	s1 =	sld [smem:$0x3F91];
	s0 =	simm.s32 @p0 $0x1  }
0x13: {  	[smem:$0x3FAC] =	sst s0;
	s0 =	simm.s32 @!p1 $0x0  }
0x14: {  	s2 =	sld [smem:$0x3F90];
	s0 =	simm.s32 @p1 $0x1  }
0x15: {  	[smem:$0x3FAD] =	sst s0;
	s0 =	simm.s32 @!p2 $0x0  }
0x16: {  	s3 =	sld [smem:$0x3FDB];
	s0 =	simm.s32 @p2 $0x1  }
0x17: {  	s4 =	simm.s32 $0x1BF5;
	[smem:$0x3FAF] =	sst s0  }
0x18: {  	s0 =	sld [smem:$0x3F92];
	_ =	swait.ge [sflag:s4], $0x0  }
0x19: {  	s7 =	sld [smem:$0x3F93]  }
0x1a: {  	s8 =	sadd.s32 $0xFFFFE003, lr  }
0x1b: {  	s9 =	sadd.s32 $0xFFFFFEF7, lr;
	s5 =	simm.s32 $0xFFFFFFFF;
	p2 =	slt.u32 s8, $0xFFFFF086  }
0x1c: {  	p1 =	slt.u32 s9, $0xF7A;
	s5 =	simm.s32 @!p2 $0x0  }
0x1d: {  	s5 =	simm.s32 @p1 $0x1;
	p0 =	seq.s32 s7, s2  }
0x1e: {  	s7 =	smul.u32 @!p0 $0xF7A, s2;
	p2 =	seq.s32 @!p0 s5, $0x0  }
0x1f: {  	s9 =	smul.u32 $0xF7A, s1;
	s8 =	simm.s32 @!p0 $0x1BF5;
	p2 =	por !p2, p0  }
0x20: {  	[sflag:s8] =	ssyncset.s32 @!p0 $0xFFFFF086;
	s6 =	sadd.s32 @!p0 s3, s7;
	s7 =	simm.s32 @!p0 $0x108  }
0x21: {  	s3 =	sadd.s32 s3, s9;
	s6 =	sadd.s32 @!p0 $0x88, s6;
	s7 =	simm.s32 @p2 $0x1082  }
0x22: {  	[simem:s7], [sflag:s8] =	dma.local @!p0 [hbm:s6], $0xF7A  }
0x23: {  	s9 =	sor.u32 $0xD0000000, s2;
	s6 =	simm.s32 $0x108;
	_ =	swait.ge @!p0 [sflag:s8], $0x0  }
0x24: {  	s3 =	sadd.s32 $0x88, s3;
	s6 =	simm.s32 @!p1 $0x1082;
	[sflag:s4] =	ssyncset.s32 $0xFFFFF086  }
0x25: {  	[simem:s6], [sflag:s4] =	dma.local [hbm:s3], $0xF7A  }
0x26: {  	[smem:$0x3F93] =	sst s1;
	(tag) =	ssettag s2;
	_ =	strace s9  }
0x27: {  	s1 =	sld [smem:$0x3FA3]  }
0x28: {  	s2 =	sld [smem:$0x3FA4]  }
0x29: {  	s4 =	sld [smem:$0x3FA6]  }
0x2a: {  	p0 =	seq.s32 s5, $0x0;
	s5 =	sld [smem:$0x3FA7]  }
0x2b: {  	s6 =	sld [smem:$0x3FA8]  }
0x2c: {  	s7 =	sld [smem:$0x3FA9]  }
0x2d: {  	s3 =	simm.s32 $0x108;
	s8 =	sld [smem:$0x3FAA]  }
0x2e: {  	s3 =	simm.s32 @!p0 $0x1082;
	s9 =	sld [smem:$0x3FAB]  }
0x2f: {  	lr =	sadd.s32 s0, s3;
	s0 =	sld [smem:$0x3FA2]  }
0x30: {  	s3 =	sld [smem:$0x3FA5]  }
0x31: {  	[smem:$0x3FAE] =	sst s10  }
0x32: {  	s10 =	sld [smem:$0x3FAC];
	_ =	sdelay $0x3  }
0x33: {  	p0 =	seq.s32 s10, $0x1;
	s10 =	sld [smem:$0x3FAE];
	_ =	sdelay $0x3  }
0x34: {  	[smem:$0x3FAE] =	sst s10  }
0x35: {  	s10 =	sld [smem:$0x3FAD];
	_ =	sdelay $0x3  }
0x36: {  	p1 =	seq.s32 s10, $0x1;
	s10 =	sld [smem:$0x3FAE];
	_ =	sdelay $0x3  }
0x37: {  	[smem:$0x3FAE] =	sst s10  }
0x38: {  	s10 =	sld [smem:$0x3FAF]  }
0x39: {  	_ = 	snop;
	(pc) =	sbr.ind lr, $3  }
0x3a: {  	_ = 	snop  }
0x3b: {  	_ = 	snop  }
0x3c: {  	p2 =	seq.s32 s10, $0x1;
	s10 =	sld [smem:$0x3FAE]  }
0x3d: {  	_ =	shalt  }
0x3e: {  	_ =	shalt  }
0x3f: {  	_ =	shalt  }
0x40: {  	_ =	shalt  }
0x41: {  	_ =	shalt  }
0x42: {  	_ =	shalt  }
0x43: {  	_ =	shalt  }
0x44: {  	_ =	shalt  }
0x45: {  	_ =	shalt  }
0x46: {  	_ =	shalt  }
0x47: {  	_ =	shalt  }
0x48: {  	_ =	shalt  }
0x49: {  	_ =	shalt  }
0x4a: {  	_ =	shalt  }
0x4b: {  	_ =	shalt  }
0x4c: {  	_ =	shalt  }
0x4d: {  	_ =	shalt  }
0x4e: {  	_ =	shalt  }
0x4f: {  	_ =	shalt  }
0x50: {  	_ =	shalt  }
0x51: {  	_ =	shalt  }
0x52: {  	_ =	shalt  }
0x53: {  	_ =	shalt  }
0x54: {  	_ =	shalt  }
0x55: {  	_ =	shalt  }
0x56: {  	_ =	shalt  }
0x57: {  	_ =	shalt  }
0x58: {  	_ =	shalt  }
0x59: {  	_ =	shalt  }
0x5a: {  	_ =	shalt  }
0x5b: {  	_ =	shalt  }
0x5c: {  	_ =	shalt  }
0x5d: {  	_ =	shalt  }
0x5e: {  	_ =	shalt  }
0x5f: {  	_ =	shalt  }
0x60: {  	_ =	shalt  }
0x61: {  	_ =	shalt  }
0x62: {  	_ =	shalt  }
0x63: {  	_ =	shalt  }
0x64: {  	_ =	shalt  }
0x65: {  	_ =	shalt  }
0x66: {  	_ =	shalt  }
0x67: {  	_ =	shalt  }
0x68: {  	_ =	shalt  }
0x69: {  	_ =	shalt  }
0x6a: {  	_ =	shalt  }
0x6b: {  	_ =	shalt  }
0x6c: {  	_ =	shalt  }
0x6d: {  	_ =	shalt  }
0x6e: {  	_ =	shalt  }
0x6f: {  	_ =	shalt  }
0x70: {  	_ =	shalt  }
0x71: {  	_ =	shalt  }
0x72: {  	_ =	shalt  }
0x73: {  	_ =	shalt  }
0x74: {  	_ =	shalt  }
0x75: {  	_ =	shalt  }
0x76: {  	_ =	shalt  }
0x77: {  	_ =	shalt  }
0x78: {  	_ =	shalt  }
0x79: {  	_ =	shalt  }
0x7a: {  	_ =	shalt  }
0x7b: {  	_ =	shalt  }
0x7c: {  	_ =	shalt  }
0x7d: {  	_ =	shalt  }
0x7e: {  	_ =	shalt  }
0x7f: {  	_ =	shalt  }
0x80: {  	_ =	shalt  }
0x81: {  	_ =	shalt  }
0x82: {  	_ =	shalt  }
0x83: {  	_ =	shalt  }
0x84: {  	_ =	shalt  }
0x85: {  	_ =	shalt  }
0x86: {  	_ =	shalt  }
0x87: {  	_ =	shalt  }
.Lfunc_end0:
.L_simem_size_0:
called_computation.2_lowered:
.L_overlay_start_0:
0x88: {  	s2 =	sld [smem:$0x3FD9]  }
0x89: {  	s3 =	sld [smem:$0x3FFE];
	_ =	sdelay $0x1  }
0x8a: {  	s1 =	srdreg.scid  }
0x8b: {  	s0 =	sand.u32 $0x1, s1  }
0x8c: {  	s16 =	sshll.u32 s0, $0xA;
	s2 =	sadd.s32 s3, s2  }
0x8d: {  	s2 =	sadd.s32 s2, s16  }
0x8e: {  	[smem:$0x3FBA] =	sst s2  }
0x8f: {  	_ = 	snop  }
0x90: {  	(tm) =	ssettm $0x1  }
0x91: {  	s17 =	sld [smem:$0x3FFB];
	_ =	sdelay $0x3  }
0x92: {  	_ =	strace s17  }
0x93: {  	s2 =	sld [smem:$0x3FFC];
	_ =	sdelay $0x3  }
0x94: {  	_ =	strace s2  }
0x95: {  	s2 =	sld [smem:$0x3FFD];
	_ =	sdelay $0x3  }
0x96: {  	_ =	strace s2  }
0x97: {  	_ =	strace $0x8FFFFFFF  }
0x98: {  	s18 =	sld [smem:$0x3FDB];
	_ =	sdelay $0x1  }
0x99: {  	s19 =	simm.s32 $_scs_section_size  }
0x9a: {  	s4 =	simm.s32 $_size__tile_overlayer_lowered;
	s5 =	simm.s32 $_tile_overlayer_lowered  }
0x9b: {  	s22 =	simm.s32 $0x1BFF;
	s21 =	sshll.u32 s5, $0x1;
	s2 =	sadd.s32 s19, s18  }
0x9c: {  	s6 =	simm.s32 $0x0;
	s20 =	sshll.u32 s4, $0x1;
	s4 =	sadd.s32 s21, s2  }
0x9d: {  	[timem:s6], [sflag:s22] =	dma.local [hbm:s4], s20  }
0x9e: {  	_ =	swait.ge [sflag:s22], s20  }
0x9f: {  	s3 =	ssub.s32 $0x0, s20;
	[sflag:s22] =	ssyncset.done $0x0  }
0xa0: {  	[sflag:s22] =	ssyncadd.s32 s3;
	_ =	sdelay $0x1  }
0xa1: {  	s23 =	simm.s32 $0x1B8B  }
0xa2: {  	_ =	swait.ge [sflag:s23], $0x1  }
0xa3: {  	[sflag:s23] =	ssyncset.done $0x0  }
0xa4: {  	s25 =	simm.s32 $0x1B8E;
	s24 =	sld [smem:$0x3FFE];
	[sflag:s23] =	ssyncadd.s32 $0xFFFFFFFF  }
0xa5: {  	s26 =	simm.s32 $execute0_lowered;
	[smem:$0x3FD2] =	sst s25  }
0xa6: {  	s4 =	sshll.u32 s26, $0x1;
	_ =	strace $0x8000004C;
	[dreg:$0x1] =	wrdreg $0xFFFFFFFF  }
0xa7: {  	s28 =	simm.s32 $_size_execute0_lowered;
	s2 =	sadd.s32 s2, s4;
	[dreg:$0x0] =	wrdreg $0x0  }
0xa8: {  	s4 =	sshll.u32 s28, $0x1;
	[dreg:$0x2] =	wrdreg s2  }
0xa9: {  	[dreg:$0x3] =	wrdreg s4  }
0xaa: {  	[dreg:$0x4] =	wrdreg $0xC0  }
0xab: {  	_ =	task [dreg:s6], $0x5FFFF  }
0xac: {  	[dreg:$0x1] =	wrdreg $0xFFFFFFFF  }
0xad: {  	[dreg:$0x0] =	wrdreg $0x60  }
0xae: {  	[dreg:$0x2] =	wrdreg s24  }
0xaf: {  	[dreg:$0x3] =	wrdreg $0x41000  }
0xb0: {  	[dreg:$0x4] =	wrdreg $0x9  }
0xb1: {  	_ =	task.clear_ibuf [dreg:s6], $0x5FFFF;
	_ =	strace $0x9000004C  }
0xb2: {  	s29 =	simm.s32 $0x9;
	_ =	strace $0x8000004E  }
0xb3: {  	_ =	swait.ge [sflag:s29], $0x1  }
0xb4: {  	[sflag:s29] =	ssyncadd.s32 $0xFFFFFFFF  }
0xb5: {  	_ =	strace $0x9000004E  }
0xb6: {  	_ =	sfence  }
0xb7: {  	s30 =	sld [smem:$0x0];
	_ =	sdelay $0x2  }
0xb8: {  	s31 =	sshll.u32 s1, $0xD;
	s1 =	sshrl.u32 s1, $0x2  }
0xb9: {  	s3 =	sand.u32 $0x4000, s31;
	s1 =	sadd.s32 s1, s30  }
0xba: {  	s0 =	sor.u32 s3, s0;
	s1 =	sshll.u32 s1, $0x11  }
0xbb: {  	s0 =	sor.u32 s1, s0  }
0xbc: {  	s0 =	sadd.s32 $0x8F2B, s0  }
0xbd: {  	[sflag:s0] =	ssyncadd.remote.s32 $0x1  }
0xbe: {  	_ =	sfence.sel $0xFFFF  }
0xbf: {  	[dreg:$0x0] =	wrdreg $0xFFFFFFFF;
	(pc) =	sbr.abs _section_cstart, $3  }
0xc0: {  	[dreg:$0x1] =	wrdreg $0xFFFFFFFF  }
0xc1: {  	_ =	task.clear_ibuf [dreg:s6], $0x2FFFF;
	_ =	strace $0x9FFFFFFF  }
0xc2: {  	(tm) =	ssettm $0x7FFFFFFF  }
0xc3: {  	_ =	shalt  }
tec
execute0_lowered:
.L_overlay_start_1:
0x0: {  	(tag) =	ssettag $0x1  }
0x1: {  	s5 =	rddreg [dreg:$0x0]  }
0x2: {  	s2 =	rddreg [dreg:$0x1]  }
0x3: {  	s0 =	rddreg [dreg:$0x2];
	s1 =	stileid.u32  }
0x4: {  	s4 =	srdreg.scid;
	s3 =	simm.s32 $0x0;
	s12 =	simm.s32 $0x2  }
0x5: {  	s13 =	simm.s32 $0x80;
	s14 =	simm.s32 $0x100;
	s6 =	smul.u32 $0x9E0, s1  }
0x6: {  	s15 =	simm.s32 $0x1;
	s16 =	simm.s32 $0x0;
	s7 =	smul.u32 $0x14000, s1  }
0x7: {  	s8 =	sand.u32 $0x1, s4;
	[smem:$0x7FF] =	sst s3;
	s11 =	smul.u32 $0x50000, s1  }
0x8: {  	s4 =	sadd.s32 $0x41C00, s5;
	s31 =	sshll.u32 s1, $0x6;
	s9 =	smul.u32 $0x140000, s8  }
0x9: {  	_ =	strace $0x8000004D;
	s28 =	ssub.s32 $0x2, s8;
	s8 =	smul.u32 $0x4F0, s8  }
0xa: {  	s10 =	sadd.s32 s6, s5;
	s26 =	sshrl.u32 s7, $0x3;
	s29 =	sshrl.u32 s28, $0x1  }
0xb: {  	s30 =	sshrl.u32 s11, $0x2;
	s7 =	sadd.s32 s7, s9;
	s6 =	sadd.s32 s26, s5  }
0xc: {  	s9 =	ssub.s32 s28, s29;
	s11 =	sadd.s32 s30, s2;
	s10 =	sadd.s32 s8, s10  }
0xd: {  	s7 =	sshrl.u32 s7, $0x3;
	s8 =	smax.u32 s9, $0x1;
	s9 =	sadd.s32 $0x6000, s10  }
0xe: {  	s10 =	sadd.s32 $0xFE00, s10;
	s11 =	sshrl.u32 s11, $0x3;
	s7 =	sadd.s32 s7, s5  }
0xf: {  	s5 =	sadd.s32 $0x19C00, s6;
	s6 =	sor.u32 $0x1C02, s31;
	s7 =	sadd.s32 $0x68E00, s7  }
.LBB2_1:
0x10: {  	[spmem:s11], [sflag:s6] =	dma.local [hbm:s5], $0x2800  }
0x11: {  	_ =	swait.ge [sflag:s12], $0x2800  }
0x12: {  	[sflag:s12] =	ssyncset.done $0x0  }
0x13: {  	[sflag:s12] =	ssyncadd.s32 $0xFFFFD800  }
0x14: {  	s17 =	sadd.s32 $0x0, s10;
	[bflag:$0x0] =	sbarrier.arrive $0xFFFF  }
0x15: {  	[tilespmem:s3], [sflag:$0x2] =	stream.linear.gather [hbm4b:s17+s3], $0x80, $0x38;
	[tilespmem:$0x18100] =	vst v63  }
0x16: {  	_ =	swait.ge [sflag:s12], $0x80  }
0x17: {  	[sflag:s12] =	ssyncset.done $0x0  }
0x18: {  	s31 =	sadd.s32 $0x0, s9;
	[sflag:s12] =	ssyncadd.s32 $0xFFFFFF80  }
0x19: {  	[tilespmem:s13], [sflag:$0x2] =	stream.linear.gather [hbm4b:s31+s3], $0x80, $0x38;
	[tilespmem:$0x18100] =	vst v63  }
0x1a: {  	_ =	swait.ge [sflag:s12], $0x80  }
0x1b: {  	[sflag:s12] =	ssyncset.done $0x0  }
0x1c: {  	[sflag:s12] =	ssyncadd.s32 $0xFFFFFF80  }
0x1d: {  	[tilespmem:s14], [sflag:$0x1] =	stream.indirect.gather [hbm4b:s4+s13], $0x80, s3, s13, $0xb8;
	[tilespmem:$0x18100] =	vst v63  }
0x1e: {  	_ =	swait.ge [sflag:s15], $0x4000  }
0x1f: {  	[sflag:s15] =	ssyncset.done $0x0  }
0x20: {  	[sflag:s15] =	ssyncadd.s32 $0xFFFFC000  }
0x21: {  	[spmem:s2] =	stream.indirect.scatter.add.f32 [tilespmem:s14], [sflag:$0x2], $0x80, s13, s13, $0xb8;
	[tilespmem:$0x18100] =	vst v63  }
0x22: {  	_ =	swait.ge [sflag:s12], $0x4000  }
0x23: {  	s18 =	simm.s32 $0x20;
	s17 =	simm.s32 $0x10;
	[sflag:s12] =	ssyncset.done $0x0  }
.LBB2_2:
0x24: {  	s19 =	sadd.s32 s17, s10  }
0x25: {  	[sflag:s12] =	ssyncadd.s32 $0xFFFFC000;
	s20 =	smov.u32 s18;
	s21 =	sadd.s32 $0x10, s18  }
0x26: {  	[tilespmem:s3], [sflag:$0x2] =	stream.linear.gather [hbm4b:s19+s3], $0x80, $0x38;
	[tilespmem:$0x18100] =	vst v63  }
0x27: {  	p0 =	sne.s32 s18, $0x4E0;
	_ =	swait.ge [sflag:s12], $0x80  }
0x28: {  	[sflag:s12] =	ssyncset.done $0x0  }
0x29: {  	s18 =	sadd.s32 s17, s9;
	s17 =	smov.u32 s20;
	[sflag:s12] =	ssyncadd.s32 $0xFFFFFF80  }
0x2a: {  	[tilespmem:s13], [sflag:$0x2] =	stream.linear.gather [hbm4b:s18+s3], $0x80, $0x38;
	[tilespmem:$0x18100] =	vst v63  }
0x2b: {  	_ =	swait.ge [sflag:s12], $0x80  }
0x2c: {  	[sflag:s12] =	ssyncset.done $0x0  }
0x2d: {  	[sflag:s12] =	ssyncadd.s32 $0xFFFFFF80  }
0x2e: {  	[tilespmem:s14], [sflag:$0x1] =	stream.indirect.gather [hbm4b:s4+s13], $0x80, s3, s13, $0xb8;
	[tilespmem:$0x18100] =	vst v63  }
0x2f: {  	_ =	swait.ge [sflag:s15], $0x4000  }
.Ltmp0:
0x30: {  	[sflag:s15] =	ssyncset.done $0x0;
	(pc) =	sbr.rel @p0 .LBB2_2-.Ltmp0, $4  }
0x31: {  	[sflag:s15] =	ssyncadd.s32 $0xFFFFC000  }
0x32: {  	[spmem:s2] =	stream.indirect.scatter.add.f32 [tilespmem:s14], [sflag:$0x2], $0x80, s13, s13, $0xb8;
	[tilespmem:$0x18100] =	vst v63  }
0x33: {  	_ =	swait.ge [sflag:s12], $0x4000  }
0x34: {  	s18 =	smov.u32 s21;
	[sflag:s12] =	ssyncset.done $0x0  }
0x35: {  	s18 =	sadd.s32 s17, s10;
	[sflag:s12] =	ssyncadd.s32 $0xFFFFC000  }
0x36: {  	[tilespmem:s3], [sflag:$0x2] =	stream.linear.gather [hbm4b:s18+s3], $0x80, $0x38;
	[tilespmem:$0x18100] =	vst v63  }
0x37: {  	_ =	swait.ge [sflag:s12], $0x80  }
0x38: {  	[sflag:s12] =	ssyncset.done $0x0  }
0x39: {  	s31 =	sadd.s32 s17, s9;
	[sflag:s12] =	ssyncadd.s32 $0xFFFFFF80  }
0x3a: {  	[tilespmem:s13], [sflag:$0x2] =	stream.linear.gather [hbm4b:s31+s3], $0x80, $0x38;
	[tilespmem:$0x18100] =	vst v63  }
0x3b: {  	_ =	swait.ge [sflag:s12], $0x80  }
0x3c: {  	[sflag:s12] =	ssyncset.done $0x0  }
0x3d: {  	[sflag:s12] =	ssyncadd.s32 $0xFFFFFF80  }
0x3e: {  	[tilespmem:s14], [sflag:$0x1] =	stream.indirect.gather [hbm4b:s4+s13], $0x80, s3, s13, $0xb8;
	[tilespmem:$0x18100] =	vst v63  }
0x3f: {  	_ =	swait.ge [sflag:s15], $0x4000  }
0x40: {  	[sflag:s15] =	ssyncset.done $0x0  }
0x41: {  	[sflag:s15] =	ssyncadd.s32 $0xFFFFC000  }
0x42: {  	[spmem:s2] =	stream.indirect.scatter.add.f32 [tilespmem:s14], [sflag:$0x2], $0x80, s13, s13, $0xb8;
	[tilespmem:$0x18100] =	vst v63  }
0x43: {  	_ =	swait.ge [sflag:s12], $0x4000  }
0x44: {  	s16 =	sadd.s32 $0x1, s16;
	[sflag:s12] =	ssyncset.done $0x0  }
0x45: {  	p0 =	sne.s32 s16, s8;
	[sflag:s12] =	ssyncadd.s32 $0xFFFFC000  }
.Ltmp1:
0x46: {  	[bflag:$0x0] =	sbarrier.arrive $0xFFFF;
	(pc) =	sbr.rel @p0 .LBB2_1-.Ltmp1, $4  }
0x47: {  	[hbm:s7], [sflag:s6] =	dma.local [spmem:s11], $0x2800  }
0x48: {  	_ =	swait.ge [sflag:s12], $0x2800  }
0x49: {  	[sflag:s12] =	ssyncset.done $0x0  }
0x4a: {  	[sflag:s12] =	ssyncadd.s32 $0xFFFFD800  }
0x4b: {  	_ =	sfence.sel $0x180000  }
0x4c: {  	[bflag:$0x0] =	sbarrier.arrive $0xFFFF  }
0x4d: {  	p0 =	sne.s32 s1, $0x0;
	_ =	strace $0x9000004D  }
0x4e: {  	s0 =	sadd.s32 @!p0 $0x100000, s0;
	[bflag:$0x2] =	sbarrier.arrive $0xFFFF  }
0x4f: {  	[sflag:s0] =	ssyncadd.tile.s32 @!p0 $0x1;
	_ =	shalt  }
.Lfunc_end2:
_tile_overlayer_lowered:
.L_overlay_start_2:
0x50: {  	(tag) =	ssettag $0x2  }
0x51: {  	s0 =	rddreg [dreg:$0x0];
	s2 =	stileid.u32  }
0x52: {  	s1 =	rddreg [dreg:$0x1];
	p0 =	sne.s32 s2, $0x0  }
0x53: {  	s3 =	rddreg [dreg:$0x2];
	[bflag:$0x3] =	sbarrier.arrive $0xFFFF;
	s2 =	simm.s32 @!p0 $0x1C02  }
0x54: {  	[timem:s3], [sflag:s2] =	dma.local @!p0 [hbm:s0], s1  }
0x55: {  	s0 =	simm.s32 @!p0 $0x2  }
0x56: {  	_ =	swait.ge @!p0 [sflag:s0], s1  }
0x57: {  	s1 =	ssub.s32 @!p0 $0x0, s1;
	[sflag:s0] =	ssyncset.done @!p0 $0x0  }
0x58: {  	[sflag:s0] =	ssyncadd.s32 @!p0 s1  }
0x59: {  	[bflag:$0x3] =	sbarrier.arrive $0xFFFF  }
0x5a: {  	_ =	shalt  }

// kernel: kernel.20.cloned.1.call-start
scs
__scs_entry_jumppad:
0x0: {  	(pc) =	sbr.rel $0x88, $3  }
0x1: {  	(tag) =	ssettag $0x0;
	lr =	simm.s32 $0x1  }
0x2: {  	[smem:$0x3F93] =	sst lr;
	_ =	strace $0xD0000000  }
0x3: {  	_ = 	snop  }
0x4: {  	_ = 	snop  }
0x5: {  	_ = 	snop  }
0x6: {  	_ = 	snop  }
0x7: {  	_ = 	snop  }
__scs_overlays_trampoline_lowered:
0x8: {  	[smem:$0x3FA2] =	sst s0  }
0x9: {  	[smem:$0x3FA3] =	sst s1  }
0xa: {  	[smem:$0x3FA4] =	sst s2  }
0xb: {  	[smem:$0x3FA5] =	sst s3  }
0xc: {  	[smem:$0x3FA6] =	sst s4  }
0xd: {  	[smem:$0x3FA7] =	sst s5  }
0xe: {  	[smem:$0x3FA8] =	sst s6  }
0xf: {  	[smem:$0x3FA9] =	sst s7  }
0x10: {  	[smem:$0x3FAA] =	sst s8  }
0x11: {  	[smem:$0x3FAB] =	sst s9;
	s0 =	simm.s32 @!p0 $0x0  }
0x12: {  	s1 =	sld [smem:$0x3F91];
	s0 =	simm.s32 @p0 $0x1  }
0x13: {  	[smem:$0x3FAC] =	sst s0;
	s0 =	simm.s32 @!p1 $0x0  }
0x14: {  	s2 =	sld [smem:$0x3F90];
	s0 =	simm.s32 @p1 $0x1  }
0x15: {  	[smem:$0x3FAD] =	sst s0;
	s0 =	simm.s32 @!p2 $0x0  }
0x16: {  	s3 =	sld [smem:$0x3FDB];
	s0 =	simm.s32 @p2 $0x1  }
0x17: {  	s4 =	simm.s32 $0x1BF5;
	[smem:$0x3FAF] =	sst s0  }
0x18: {  	s0 =	sld [smem:$0x3F92];
	_ =	swait.ge [sflag:s4], $0x0  }
0x19: {  	s7 =	sld [smem:$0x3F93]  }
0x1a: {  	s8 =	sadd.s32 $0xFFFFE003, lr  }
0x1b: {  	s9 =	sadd.s32 $0xFFFFFEF7, lr;
	s5 =	simm.s32 $0xFFFFFFFF;
	p2 =	slt.u32 s8, $0xFFFFF086  }
0x1c: {  	p1 =	slt.u32 s9, $0xF7A;
	s5 =	simm.s32 @!p2 $0x0  }
0x1d: {  	s5 =	simm.s32 @p1 $0x1;
	p0 =	seq.s32 s7, s2  }
0x1e: {  	s7 =	smul.u32 @!p0 $0xF7A, s2;
	p2 =	seq.s32 @!p0 s5, $0x0  }
0x1f: {  	s9 =	smul.u32 $0xF7A, s1;
	s8 =	simm.s32 @!p0 $0x1BF5;
	p2 =	por !p2, p0  }
0x20: {  	[sflag:s8] =	ssyncset.s32 @!p0 $0xFFFFF086;
	s6 =	sadd.s32 @!p0 s3, s7;
	s7 =	simm.s32 @!p0 $0x108  }
0x21: {  	s3 =	sadd.s32 s3, s9;
	s6 =	sadd.s32 @!p0 $0x88, s6;
	s7 =	simm.s32 @p2 $0x1082  }
0x22: {  	[simem:s7], [sflag:s8] =	dma.local @!p0 [hbm:s6], $0xF7A  }
0x23: {  	s9 =	sor.u32 $0xD0000000, s2;
	s6 =	simm.s32 $0x108;
	_ =	swait.ge @!p0 [sflag:s8], $0x0  }
0x24: {  	s3 =	sadd.s32 $0x88, s3;
	s6 =	simm.s32 @!p1 $0x1082;
	[sflag:s4] =	ssyncset.s32 $0xFFFFF086  }
0x25: {  	[simem:s6], [sflag:s4] =	dma.local [hbm:s3], $0xF7A  }
0x26: {  	[smem:$0x3F93] =	sst s1;
	(tag) =	ssettag s2;
	_ =	strace s9  }
0x27: {  	s1 =	sld [smem:$0x3FA3]  }
0x28: {  	s2 =	sld [smem:$0x3FA4]  }
0x29: {  	s4 =	sld [smem:$0x3FA6]  }
0x2a: {  	p0 =	seq.s32 s5, $0x0;
	s5 =	sld [smem:$0x3FA7]  }
0x2b: {  	s6 =	sld [smem:$0x3FA8]  }
0x2c: {  	s7 =	sld [smem:$0x3FA9]  }
0x2d: {  	s3 =	simm.s32 $0x108;
	s8 =	sld [smem:$0x3FAA]  }
0x2e: {  	s3 =	simm.s32 @!p0 $0x1082;
	s9 =	sld [smem:$0x3FAB]  }
0x2f: {  	lr =	sadd.s32 s0, s3;
	s0 =	sld [smem:$0x3FA2]  }
0x30: {  	s3 =	sld [smem:$0x3FA5]  }
0x31: {  	[smem:$0x3FAE] =	sst s10  }
0x32: {  	s10 =	sld [smem:$0x3FAC];
	_ =	sdelay $0x3  }
0x33: {  	p0 =	seq.s32 s10, $0x1;
	s10 =	sld [smem:$0x3FAE];
	_ =	sdelay $0x3  }
0x34: {  	[smem:$0x3FAE] =	sst s10  }
0x35: {  	s10 =	sld [smem:$0x3FAD];
	_ =	sdelay $0x3  }
0x36: {  	p1 =	seq.s32 s10, $0x1;
	s10 =	sld [smem:$0x3FAE];
	_ =	sdelay $0x3  }
0x37: {  	[smem:$0x3FAE] =	sst s10  }
0x38: {  	s10 =	sld [smem:$0x3FAF]  }
0x39: {  	_ = 	snop;
	(pc) =	sbr.ind lr, $3  }
0x3a: {  	_ = 	snop  }
0x3b: {  	_ = 	snop  }
0x3c: {  	p2 =	seq.s32 s10, $0x1;
	s10 =	sld [smem:$0x3FAE]  }
0x3d: {  	_ =	shalt  }
0x3e: {  	_ =	shalt  }
0x3f: {  	_ =	shalt  }
0x40: {  	_ =	shalt  }
0x41: {  	_ =	shalt  }
0x42: {  	_ =	shalt  }
0x43: {  	_ =	shalt  }
0x44: {  	_ =	shalt  }
0x45: {  	_ =	shalt  }
0x46: {  	_ =	shalt  }
0x47: {  	_ =	shalt  }
0x48: {  	_ =	shalt  }
0x49: {  	_ =	shalt  }
0x4a: {  	_ =	shalt  }
0x4b: {  	_ =	shalt  }
0x4c: {  	_ =	shalt  }
0x4d: {  	_ =	shalt  }
0x4e: {  	_ =	shalt  }
0x4f: {  	_ =	shalt  }
0x50: {  	_ =	shalt  }
0x51: {  	_ =	shalt  }
0x52: {  	_ =	shalt  }
0x53: {  	_ =	shalt  }
0x54: {  	_ =	shalt  }
0x55: {  	_ =	shalt  }
0x56: {  	_ =	shalt  }
0x57: {  	_ =	shalt  }
0x58: {  	_ =	shalt  }
0x59: {  	_ =	shalt  }
0x5a: {  	_ =	shalt  }
0x5b: {  	_ =	shalt  }
0x5c: {  	_ =	shalt  }
0x5d: {  	_ =	shalt  }
0x5e: {  	_ =	shalt  }
0x5f: {  	_ =	shalt  }
0x60: {  	_ =	shalt  }
0x61: {  	_ =	shalt  }
0x62: {  	_ =	shalt  }
0x63: {  	_ =	shalt  }
0x64: {  	_ =	shalt  }
0x65: {  	_ =	shalt  }
0x66: {  	_ =	shalt  }
0x67: {  	_ =	shalt  }
0x68: {  	_ =	shalt  }
0x69: {  	_ =	shalt  }
0x6a: {  	_ =	shalt  }
0x6b: {  	_ =	shalt  }
0x6c: {  	_ =	shalt  }
0x6d: {  	_ =	shalt  }
0x6e: {  	_ =	shalt  }
0x6f: {  	_ =	shalt  }
0x70: {  	_ =	shalt  }
0x71: {  	_ =	shalt  }
0x72: {  	_ =	shalt  }
0x73: {  	_ =	shalt  }
0x74: {  	_ =	shalt  }
0x75: {  	_ =	shalt  }
0x76: {  	_ =	shalt  }
0x77: {  	_ =	shalt  }
0x78: {  	_ =	shalt  }
0x79: {  	_ =	shalt  }
0x7a: {  	_ =	shalt  }
0x7b: {  	_ =	shalt  }
0x7c: {  	_ =	shalt  }
0x7d: {  	_ =	shalt  }
0x7e: {  	_ =	shalt  }
0x7f: {  	_ =	shalt  }
0x80: {  	_ =	shalt  }
0x81: {  	_ =	shalt  }
0x82: {  	_ =	shalt  }
0x83: {  	_ =	shalt  }
0x84: {  	_ =	shalt  }
0x85: {  	_ =	shalt  }
0x86: {  	_ =	shalt  }
0x87: {  	_ =	shalt  }
.Lfunc_end0:
.L_simem_size_0:
called_computation.3_lowered:
.L_overlay_start_0:
0x88: {  	s2 =	sld [smem:$0x3FD9]  }
0x89: {  	s3 =	sld [smem:$0x3FFE];
	_ =	sdelay $0x1  }
0x8a: {  	s1 =	srdreg.scid  }
0x8b: {  	s0 =	sand.u32 $0x1, s1  }
0x8c: {  	s16 =	sshll.u32 s0, $0xA;
	s2 =	sadd.s32 s3, s2  }
0x8d: {  	s2 =	sadd.s32 s2, s16  }
0x8e: {  	[smem:$0x3FBA] =	sst s2  }
0x8f: {  	_ = 	snop  }
0x90: {  	(tm) =	ssettm $0x1  }
0x91: {  	s17 =	sld [smem:$0x3FFB];
	_ =	sdelay $0x3  }
0x92: {  	_ =	strace s17  }
0x93: {  	s2 =	sld [smem:$0x3FFC];
	_ =	sdelay $0x3  }
0x94: {  	_ =	strace s2  }
0x95: {  	s2 =	sld [smem:$0x3FFD];
	_ =	sdelay $0x3  }
0x96: {  	_ =	strace s2  }
0x97: {  	_ =	strace $0x8FFFFFFF  }
0x98: {  	s18 =	sld [smem:$0x3FDB];
	_ =	sdelay $0x1  }
0x99: {  	s19 =	simm.s32 $_scs_section_size  }
0x9a: {  	s4 =	simm.s32 $_size__tile_overlayer_lowered;
	s5 =	simm.s32 $_tile_overlayer_lowered  }
0x9b: {  	s22 =	simm.s32 $0x1BFF;
	s21 =	sshll.u32 s5, $0x1;
	s2 =	sadd.s32 s19, s18  }
0x9c: {  	s6 =	simm.s32 $0x0;
	s20 =	sshll.u32 s4, $0x1;
	s4 =	sadd.s32 s21, s2  }
0x9d: {  	[timem:s6], [sflag:s22] =	dma.local [hbm:s4], s20  }
0x9e: {  	_ =	swait.ge [sflag:s22], s20  }
0x9f: {  	s3 =	ssub.s32 $0x0, s20;
	[sflag:s22] =	ssyncset.done $0x0  }
0xa0: {  	[sflag:s22] =	ssyncadd.s32 s3;
	_ =	sdelay $0x1  }
0xa1: {  	s23 =	simm.s32 $0x1B8B  }
0xa2: {  	_ =	swait.ge [sflag:s23], $0x1  }
0xa3: {  	[sflag:s23] =	ssyncset.done $0x0  }
0xa4: {  	s25 =	simm.s32 $0x1B8E;
	s24 =	sld [smem:$0x3FFE];
	[sflag:s23] =	ssyncadd.s32 $0xFFFFFFFF  }
0xa5: {  	s26 =	simm.s32 $execute0_lowered;
	[smem:$0x3FD2] =	sst s25  }
0xa6: {  	s4 =	sshll.u32 s26, $0x1;
	_ =	strace $0x8000004F;
	[dreg:$0x1] =	wrdreg $0xFFFFFFFF  }
0xa7: {  	s28 =	simm.s32 $_size_execute0_lowered;
	s2 =	sadd.s32 s2, s4;
	[dreg:$0x0] =	wrdreg $0x0  }
0xa8: {  	s4 =	sshll.u32 s28, $0x1;
	[dreg:$0x2] =	wrdreg s2  }
0xa9: {  	[dreg:$0x3] =	wrdreg s4  }
0xaa: {  	[dreg:$0x4] =	wrdreg $0xC0  }
0xab: {  	_ =	task [dreg:s6], $0x5FFFF  }
0xac: {  	[dreg:$0x1] =	wrdreg $0xFFFFFFFF  }
0xad: {  	[dreg:$0x0] =	wrdreg $0x60  }
0xae: {  	[dreg:$0x2] =	wrdreg s24  }
0xaf: {  	[dreg:$0x3] =	wrdreg $0x41000  }
0xb0: {  	[dreg:$0x4] =	wrdreg $0x9  }
0xb1: {  	_ =	task.clear_ibuf [dreg:s6], $0x5FFFF;
	_ =	strace $0x9000004F  }
0xb2: {  	s29 =	simm.s32 $0x9;
	_ =	strace $0x80000051  }
0xb3: {  	_ =	swait.ge [sflag:s29], $0x1  }
0xb4: {  	[sflag:s29] =	ssyncadd.s32 $0xFFFFFFFF  }
0xb5: {  	_ =	strace $0x90000051  }
0xb6: {  	_ =	sfence  }
0xb7: {  	s30 =	sld [smem:$0x0];
	_ =	sdelay $0x2  }
0xb8: {  	s31 =	sshll.u32 s1, $0xD;
	s1 =	sshrl.u32 s1, $0x2  }
0xb9: {  	s3 =	sand.u32 $0x4000, s31;
	s1 =	sadd.s32 s1, s30  }
0xba: {  	s0 =	sor.u32 s3, s0;
	s1 =	sshll.u32 s1, $0x11  }
0xbb: {  	s0 =	sor.u32 s1, s0  }
0xbc: {  	s0 =	sadd.s32 $0x8F2B, s0  }
0xbd: {  	[sflag:s0] =	ssyncadd.remote.s32 $0x1  }
0xbe: {  	_ =	sfence.sel $0xFFFF  }
0xbf: {  	[dreg:$0x0] =	wrdreg $0xFFFFFFFF;
	(pc) =	sbr.abs _section_cstart, $3  }
0xc0: {  	[dreg:$0x1] =	wrdreg $0xFFFFFFFF  }
0xc1: {  	_ =	task.clear_ibuf [dreg:s6], $0x2FFFF;
	_ =	strace $0x9FFFFFFF  }
0xc2: {  	(tm) =	ssettm $0x7FFFFFFF  }
0xc3: {  	_ =	shalt  }
tec
execute0_lowered:
.L_overlay_start_1:
0x0: {  	(tag) =	ssettag $0x1  }
0x1: {  	s5 =	rddreg [dreg:$0x0]  }
0x2: {  	s2 =	rddreg [dreg:$0x1]  }
0x3: {  	s0 =	rddreg [dreg:$0x2];
	s1 =	stileid.u32  }
0x4: {  	s4 =	srdreg.scid;
	s3 =	simm.s32 $0x0;
	s12 =	simm.s32 $0x2  }
0x5: {  	s13 =	simm.s32 $0x80;
	s14 =	simm.s32 $0x100;
	s6 =	smul.u32 $0x9E0, s1  }
0x6: {  	s15 =	simm.s32 $0x1;
	s16 =	simm.s32 $0x0;
	s7 =	smul.u32 $0x14000, s1  }
0x7: {  	s8 =	sand.u32 $0x1, s4;
	[smem:$0x7FF] =	sst s3;
	s11 =	smul.u32 $0x50000, s1  }
0x8: {  	s4 =	sadd.s32 $0x41C00, s5;
	s31 =	sshll.u32 s1, $0x6;
	s9 =	smul.u32 $0x140000, s8  }
0x9: {  	_ =	strace $0x80000050;
	s28 =	ssub.s32 $0x2, s8;
	s8 =	smul.u32 $0x4F0, s8  }
0xa: {  	s10 =	sadd.s32 s6, s5;
	s26 =	sshrl.u32 s7, $0x3;
	s29 =	sshrl.u32 s28, $0x1  }
0xb: {  	s30 =	sshrl.u32 s11, $0x2;
	s7 =	sadd.s32 s7, s9;
	s6 =	sadd.s32 s26, s5  }
0xc: {  	s9 =	ssub.s32 s28, s29;
	s11 =	sadd.s32 s30, s2;
	s10 =	sadd.s32 s8, s10  }
0xd: {  	s7 =	sshrl.u32 s7, $0x3;
	s8 =	smax.u32 s9, $0x1;
	s9 =	sadd.s32 $0x6000, s10  }
0xe: {  	s10 =	sadd.s32 $0xFE00, s10;
	s11 =	sshrl.u32 s11, $0x3;
	s7 =	sadd.s32 s7, s5  }
0xf: {  	s5 =	sadd.s32 $0x19C00, s6;
	s6 =	sor.u32 $0x1C02, s31;
	s7 =	sadd.s32 $0x68E00, s7  }
.LBB2_1:
0x10: {  	[spmem:s11], [sflag:s6] =	dma.local [hbm:s5], $0x2800  }
0x11: {  	_ =	swait.ge [sflag:s12], $0x2800  }
0x12: {  	[sflag:s12] =	ssyncset.done $0x0  }
0x13: {  	[sflag:s12] =	ssyncadd.s32 $0xFFFFD800  }
0x14: {  	s17 =	sadd.s32 $0x0, s10;
	[bflag:$0x0] =	sbarrier.arrive $0xFFFF  }
0x15: {  	[tilespmem:s3], [sflag:$0x2] =	stream.linear.gather [hbm4b:s17+s3], $0x80, $0x38;
	[tilespmem:$0x18100] =	vst v63  }
0x16: {  	_ =	swait.ge [sflag:s12], $0x80  }
0x17: {  	[sflag:s12] =	ssyncset.done $0x0  }
0x18: {  	s31 =	sadd.s32 $0x0, s9;
	[sflag:s12] =	ssyncadd.s32 $0xFFFFFF80  }
0x19: {  	[tilespmem:s13], [sflag:$0x2] =	stream.linear.gather [hbm4b:s31+s3], $0x80, $0x38;
	[tilespmem:$0x18100] =	vst v63  }
0x1a: {  	_ =	swait.ge [sflag:s12], $0x80  }
0x1b: {  	[sflag:s12] =	ssyncset.done $0x0  }
0x1c: {  	[sflag:s12] =	ssyncadd.s32 $0xFFFFFF80  }
0x1d: {  	[tilespmem:s14], [sflag:$0x1] =	stream.indirect.gather [hbm4b:s4+s13], $0x80, s3, s13, $0xb8;
	[tilespmem:$0x18100] =	vst v63  }
0x1e: {  	_ =	swait.ge [sflag:s15], $0x4000  }
0x1f: {  	[sflag:s15] =	ssyncset.done $0x0  }
0x20: {  	[sflag:s15] =	ssyncadd.s32 $0xFFFFC000  }
0x21: {  	[spmem:s2] =	stream.indirect.scatter.add.f32 [tilespmem:s14], [sflag:$0x2], $0x80, s13, s13, $0xb8;
	[tilespmem:$0x18100] =	vst v63  }
0x22: {  	_ =	swait.ge [sflag:s12], $0x4000  }
0x23: {  	s18 =	simm.s32 $0x20;
	s17 =	simm.s32 $0x10;
	[sflag:s12] =	ssyncset.done $0x0  }
.LBB2_2:
0x24: {  	s19 =	sadd.s32 s17, s10  }
0x25: {  	[sflag:s12] =	ssyncadd.s32 $0xFFFFC000;
	s20 =	smov.u32 s18;
	s21 =	sadd.s32 $0x10, s18  }
0x26: {  	[tilespmem:s3], [sflag:$0x2] =	stream.linear.gather [hbm4b:s19+s3], $0x80, $0x38;
	[tilespmem:$0x18100] =	vst v63  }
0x27: {  	p0 =	sne.s32 s18, $0x4E0;
	_ =	swait.ge [sflag:s12], $0x80  }
0x28: {  	[sflag:s12] =	ssyncset.done $0x0  }
0x29: {  	s18 =	sadd.s32 s17, s9;
	s17 =	smov.u32 s20;
	[sflag:s12] =	ssyncadd.s32 $0xFFFFFF80  }
0x2a: {  	[tilespmem:s13], [sflag:$0x2] =	stream.linear.gather [hbm4b:s18+s3], $0x80, $0x38;
	[tilespmem:$0x18100] =	vst v63  }
0x2b: {  	_ =	swait.ge [sflag:s12], $0x80  }
0x2c: {  	[sflag:s12] =	ssyncset.done $0x0  }
0x2d: {  	[sflag:s12] =	ssyncadd.s32 $0xFFFFFF80  }
0x2e: {  	[tilespmem:s14], [sflag:$0x1] =	stream.indirect.gather [hbm4b:s4+s13], $0x80, s3, s13, $0xb8;
	[tilespmem:$0x18100] =	vst v63  }
0x2f: {  	_ =	swait.ge [sflag:s15], $0x4000  }
.Ltmp0:
0x30: {  	[sflag:s15] =	ssyncset.done $0x0;
	(pc) =	sbr.rel @p0 .LBB2_2-.Ltmp0, $4  }
0x31: {  	[sflag:s15] =	ssyncadd.s32 $0xFFFFC000  }
0x32: {  	[spmem:s2] =	stream.indirect.scatter.add.f32 [tilespmem:s14], [sflag:$0x2], $0x80, s13, s13, $0xb8;
	[tilespmem:$0x18100] =	vst v63  }
0x33: {  	_ =	swait.ge [sflag:s12], $0x4000  }
0x34: {  	s18 =	smov.u32 s21;
	[sflag:s12] =	ssyncset.done $0x0  }
0x35: {  	s18 =	sadd.s32 s17, s10;
	[sflag:s12] =	ssyncadd.s32 $0xFFFFC000  }
0x36: {  	[tilespmem:s3], [sflag:$0x2] =	stream.linear.gather [hbm4b:s18+s3], $0x80, $0x38;
	[tilespmem:$0x18100] =	vst v63  }
0x37: {  	_ =	swait.ge [sflag:s12], $0x80  }
0x38: {  	[sflag:s12] =	ssyncset.done $0x0  }
0x39: {  	s31 =	sadd.s32 s17, s9;
	[sflag:s12] =	ssyncadd.s32 $0xFFFFFF80  }
0x3a: {  	[tilespmem:s13], [sflag:$0x2] =	stream.linear.gather [hbm4b:s31+s3], $0x80, $0x38;
	[tilespmem:$0x18100] =	vst v63  }
0x3b: {  	_ =	swait.ge [sflag:s12], $0x80  }
0x3c: {  	[sflag:s12] =	ssyncset.done $0x0  }
0x3d: {  	[sflag:s12] =	ssyncadd.s32 $0xFFFFFF80  }
0x3e: {  	[tilespmem:s14], [sflag:$0x1] =	stream.indirect.gather [hbm4b:s4+s13], $0x80, s3, s13, $0xb8;
	[tilespmem:$0x18100] =	vst v63  }
0x3f: {  	_ =	swait.ge [sflag:s15], $0x4000  }
0x40: {  	[sflag:s15] =	ssyncset.done $0x0  }
0x41: {  	[sflag:s15] =	ssyncadd.s32 $0xFFFFC000  }
0x42: {  	[spmem:s2] =	stream.indirect.scatter.add.f32 [tilespmem:s14], [sflag:$0x2], $0x80, s13, s13, $0xb8;
	[tilespmem:$0x18100] =	vst v63  }
0x43: {  	_ =	swait.ge [sflag:s12], $0x4000  }
0x44: {  	s16 =	sadd.s32 $0x1, s16;
	[sflag:s12] =	ssyncset.done $0x0  }
0x45: {  	p0 =	sne.s32 s16, s8;
	[sflag:s12] =	ssyncadd.s32 $0xFFFFC000  }
.Ltmp1:
0x46: {  	[bflag:$0x0] =	sbarrier.arrive $0xFFFF;
	(pc) =	sbr.rel @p0 .LBB2_1-.Ltmp1, $4  }
0x47: {  	[hbm:s7], [sflag:s6] =	dma.local [spmem:s11], $0x2800  }
0x48: {  	_ =	swait.ge [sflag:s12], $0x2800  }
0x49: {  	[sflag:s12] =	ssyncset.done $0x0  }
0x4a: {  	[sflag:s12] =	ssyncadd.s32 $0xFFFFD800  }
0x4b: {  	_ =	sfence.sel $0x180000  }
0x4c: {  	[bflag:$0x0] =	sbarrier.arrive $0xFFFF  }
0x4d: {  	p0 =	sne.s32 s1, $0x0;
	_ =	strace $0x90000050  }
0x4e: {  	s0 =	sadd.s32 @!p0 $0x100000, s0;
	[bflag:$0x2] =	sbarrier.arrive $0xFFFF  }
0x4f: {  	[sflag:s0] =	ssyncadd.tile.s32 @!p0 $0x1;
	_ =	shalt  }
.Lfunc_end2:
_tile_overlayer_lowered:
.L_overlay_start_2:
0x50: {  	(tag) =	ssettag $0x2  }
0x51: {  	s0 =	rddreg [dreg:$0x0];
	s2 =	stileid.u32  }
0x52: {  	s1 =	rddreg [dreg:$0x1];
	p0 =	sne.s32 s2, $0x0  }
0x53: {  	s3 =	rddreg [dreg:$0x2];
	[bflag:$0x3] =	sbarrier.arrive $0xFFFF;
	s2 =	simm.s32 @!p0 $0x1C02  }
0x54: {  	[timem:s3], [sflag:s2] =	dma.local @!p0 [hbm:s0], s1  }
0x55: {  	s0 =	simm.s32 @!p0 $0x2  }
0x56: {  	_ =	swait.ge @!p0 [sflag:s0], s1  }
0x57: {  	s1 =	ssub.s32 @!p0 $0x0, s1;
	[sflag:s0] =	ssyncset.done @!p0 $0x0  }
0x58: {  	[sflag:s0] =	ssyncadd.s32 @!p0 s1  }
0x59: {  	[bflag:$0x3] =	sbarrier.arrive $0xFFFF  }
0x5a: {  	_ =	shalt  }

</sc_bundles>
